<compile_context>
chip_gen: v7x
topology: tpu7x:2x2x1
jax: 0.10.2.dev20260603
libtpu: 0.0.44.dev20260713+nightly
codegen_flags: <defaults>
</compile_context>

<pallas_src>
import functools

import jax
import jax.numpy as jnp
import numpy as np
from jax.experimental import pallas as pl
from jax.experimental.pallas import tpu as pltpu

N = 10000
RATIO = 0.25
R2 = 0.4 * 0.4
K = 64
M = 2500
MP = 2560
NB_A = MP // 128
NREST = N - MP
NRESTP = 7680
NB_B = NRESTP // 128


def _fps_kernel(pt_ref, sel_ref, dists_ref):
    lane = jax.lax.broadcasted_iota(jnp.int32, (1, 128), 1)
    flat = (jax.lax.broadcasted_iota(jnp.int32, (80, 128), 0) * 128
            + jax.lax.broadcasted_iota(jnp.int32, (80, 128), 1))

    def dist_to(r, l):
        d = None
        for c in range(6):
            row = pt_ref[c, pl.ds(r, 1), :]
            s = jnp.sum(jnp.where(lane == l, row, 0.0))
            dc = (pt_ref[c] - s) ** 2
            d = dc if d is None else d + dc
        return jnp.where(flat < N, d, -1.0)

    dists_ref[...] = dist_to(0, 0)
    sel_ref[0:1, 0:1] = jnp.zeros((1, 1), jnp.int32)

    def body(i, _):
        dists = dists_ref[...]
        mx = jnp.max(dists)
        cand = jnp.where(dists == mx, flat, jnp.int32(2 ** 30))
        nxt = jnp.min(cand)
        sel_ref[pl.ds(i, 1), :] = jnp.full((1, 1), nxt, jnp.int32)
        dists_ref[...] = jnp.minimum(dists, dist_to(nxt // 128, nxt % 128))
        return 0

    jax.lax.fori_loop(1, M, body, 0)


def _fps(pos, m):
    pt = jnp.pad(pos.T, ((0, 0), (0, 10240 - N))).reshape(6, 80, 128)
    sel = pl.pallas_call(
        _fps_kernel,
        out_shape=jax.ShapeDtypeStruct((MP, 1), jnp.int32),
        scratch_shapes=[pltpu.VMEM((80, 128), jnp.float32)],
    )(pt)
    return sel[:m, 0]


def _d2_kernel(q_ref, pt_ref, pn2_ref, out_ref):
    q = q_ref[...]
    qn2 = jnp.sum(q * q, axis=1, keepdims=True)
    out_ref[...] = (qn2 + pn2_ref[...]
                    - 2.0 * jnp.dot(q, pt_ref[...],
                                    preferred_element_type=jnp.float32))


def _conv_attn_kernel(posn_ref, hn_ref, ssn_ref, valid_ref, sd_ref, ss_ref,
                      hi_ref, posi_ref, wp1_ref, bp1_ref, wp2_ref, bp2_ref,
                      wa_ref, ba_ref, wno_ref, wnp_ref, bn_ref, out_ref):
    b = pl.program_id(0)
    rows = 128
    e = rows * K
    posn3 = jnp.reshape(posn_ref[...], (rows, K, 8))
    posi = posi_ref[...]
    rel = jnp.reshape(posi[:, None, :] - posn3, (e, 8))
    t1 = jnp.maximum(jnp.dot(rel, wp1_ref[...],
                             preferred_element_type=jnp.float32)
                     + bp1_ref[...], 0.0)
    delta = jnp.maximum(jnp.dot(t1, wp2_ref[...],
                                preferred_element_type=jnp.float32)
                        + bp2_ref[...], 0.0)
    delta3 = jnp.reshape(delta, (rows, K, 128))
    wa_row = wa_ref[...]
    dwa = jnp.sum(delta3 * wa_row[None, :, :], axis=2)

    t10 = jnp.maximum(bp1_ref[...], 0.0)
    delta0 = jnp.maximum(jnp.dot(t10, wp2_ref[...],
                                 preferred_element_type=jnp.float32)
                         + bp2_ref[...], 0.0)
    dwa0 = jnp.sum(delta0 * wa_row, axis=1, keepdims=True)

    sd = sd_ref[...]
    ba = ba_ref[...]
    valid = valid_ref[...] > 0.0
    alphae = sd - ssn_ref[...] + dwa + ba
    alphae = jnp.where(valid, alphae, -1e30)
    alpha_self = sd - ss_ref[...] + dwa0 + ba
    m = jnp.maximum(jnp.max(alphae, axis=1, keepdims=True), alpha_self)
    pe = jnp.where(valid, jnp.exp(alphae - m), 0.0)
    ps = jnp.exp(alpha_self - m)
    den = jnp.sum(pe, axis=1, keepdims=True) + ps + 1e-16

    hn3 = jnp.reshape(hn_ref[...], (rows, K, 128))
    msg = jnp.sum(pe[:, :, None] * (hn3 + delta3), axis=1)
    msg = msg + ps * (hi_ref[...] + delta0)
    out_rows = msg / den

    hf = (jnp.dot(out_rows, wno_ref[...], preferred_element_type=jnp.float32)
          + jnp.dot(posi, wnp_ref[...], preferred_element_type=jnp.float32)
          + bn_ref[...])
    bmax = jnp.max(hf, axis=0, keepdims=True)

    @pl.when(b == 0)
    def _():
        out_ref[...] = bmax

    @pl.when(b > 0)
    def _():
        out_ref[...] = jnp.maximum(out_ref[...], bmax)


def _selfloop_kernel(x_ref, pos_ref, wlin_ref, wp2_ref, bp1_ref, bp2_ref,
                     wno_ref, wnp_ref, bn_ref, maxa_ref, out_ref):
    b = pl.program_id(0)
    h = jnp.dot(x_ref[...], wlin_ref[...],
                preferred_element_type=jnp.float32)
    t10 = jnp.maximum(bp1_ref[...], 0.0)
    delta0 = jnp.maximum(jnp.dot(t10, wp2_ref[...],
                                 preferred_element_type=jnp.float32)
                         + bp2_ref[...], 0.0)
    out_rows = h + delta0
    hf = (jnp.dot(out_rows, wno_ref[...], preferred_element_type=jnp.float32)
          + jnp.dot(pos_ref[...], wnp_ref[...],
                    preferred_element_type=jnp.float32)
          + bn_ref[...])
    row = MP + b * 128 + jax.lax.broadcasted_iota(jnp.int32, (128, 1), 0)
    hf = jnp.where(row < N, hf, -1e30)
    bmax = jnp.max(hf, axis=0, keepdims=True)

    @pl.when(b == 0)
    def _():
        out_ref[...] = jnp.maximum(maxa_ref[...], bmax)

    @pl.when(b > 0)
    def _():
        out_ref[...] = jnp.maximum(out_ref[...], bmax)


def kernel(x, pos, batch, W_lin, W_src, W_dst, W_p1, b_p1, W_p2, b_p2,
           W_a, b_a, W_n2, b_n2):
    idx = _fps(pos, M)
    q = jnp.pad(pos[idx], ((0, MP - M), (0, 2)))
    ptp = jnp.pad(pos.T, ((0, 2), (0, 0)))
    pn2 = jnp.sum(pos * pos, 1)[None, :]
    d2 = pl.pallas_call(
        _d2_kernel,
        grid=(NB_A,),
        in_specs=[
            pl.BlockSpec((128, 8), lambda b: (b, 0)),
            pl.BlockSpec((8, N), lambda b: (0, 0)),
            pl.BlockSpec((1, N), lambda b: (0, 0)),
        ],
        out_specs=pl.BlockSpec((128, N), lambda b: (b, 0)),
        out_shape=jax.ShapeDtypeStruct((MP, N), jnp.float32),
    )(q, ptp, pn2)[:M]
    nchunk = 8
    cw = N // nchunk
    negs, nbrs = jax.lax.top_k(-d2.reshape(M * nchunk, cw), K)
    negs = negs.reshape(M, nchunk, K)
    nbrs = (nbrs.reshape(M, nchunk, K)
            + (jnp.arange(nchunk, dtype=jnp.int32) * cw)[None, :, None])
    negc = negs.reshape(M, nchunk * K)
    nbrc = nbrs.reshape(M, nchunk * K)
    neg, pos_in_c = jax.lax.top_k(negc, K)
    nbr = jnp.take_along_axis(nbrc, pos_in_c, axis=1)
    valid = (-neg) <= R2

    h = x @ W_lin.T
    wa = W_a[0]
    ss = x @ (W_src.T @ wa)
    sd = x @ (W_dst.T @ wa)

    nbr_p = jnp.zeros((MP, K), jnp.int32).at[:M].set(nbr)
    valid_p = jnp.zeros((MP, K), jnp.float32).at[:M].set(
        valid.astype(jnp.float32))
    hn_flat = h[nbr_p.reshape(-1)]
    posn = pos[nbr_p.reshape(-1)]
    posn = jnp.pad(posn, ((0, 0), (0, 2)))
    ssn = ss[nbr_p]
    sd_col = sd[:MP][:, None]
    ss_col = ss[:MP][:, None]
    hi = h[:MP]
    posi = jnp.pad(pos[:MP], ((0, 0), (0, 2)))

    wp1 = jnp.pad(W_p1.T, ((0, 2), (0, 0)))
    wp2 = W_p2.T
    bp1 = b_p1[None, :]
    bp2 = b_p2[None, :]
    waT = wa[None, :]
    baM = b_a[None, :]
    wno = W_n2[:, :128].T
    wnp = jnp.pad(W_n2[:, 128:].T, ((0, 2), (0, 0)))
    bn = b_n2[None, :]

    full = lambda r, c: pl.BlockSpec((r, c), lambda b: (0, 0))
    maxa = pl.pallas_call(
        _conv_attn_kernel,
        grid=(NB_A,),
        in_specs=[
            pl.BlockSpec((128 * K, 8), lambda b: (b, 0)),
            pl.BlockSpec((128 * K, 128), lambda b: (b, 0)),
            pl.BlockSpec((128, K), lambda b: (b, 0)),
            pl.BlockSpec((128, K), lambda b: (b, 0)),
            pl.BlockSpec((128, 1), lambda b: (b, 0)),
            pl.BlockSpec((128, 1), lambda b: (b, 0)),
            pl.BlockSpec((128, 128), lambda b: (b, 0)),
            pl.BlockSpec((128, 8), lambda b: (b, 0)),
            full(8, 64), full(1, 64), full(64, 128), full(1, 128),
            full(1, 128), full(1, 1), full(128, 128), full(8, 128),
            full(1, 128),
        ],
        out_specs=pl.BlockSpec((1, 128), lambda b: (0, 0)),
        out_shape=jax.ShapeDtypeStruct((1, 128), jnp.float32),
    )(posn, hn_flat, ssn, valid_p, sd_col, ss_col, hi, posi,
      wp1, bp1, wp2, bp2, waT, baM, wno, wnp, bn)

    x2 = jnp.zeros((NRESTP, 128), jnp.float32).at[:NREST].set(x[MP:])
    pos2 = jnp.zeros((NRESTP, 8), jnp.float32).at[:NREST, :6].set(pos[MP:])
    pooled = pl.pallas_call(
        _selfloop_kernel,
        grid=(NB_B,),
        in_specs=[
            pl.BlockSpec((128, 128), lambda b: (b, 0)),
            pl.BlockSpec((128, 8), lambda b: (b, 0)),
            full(128, 128), full(64, 128), full(1, 64), full(1, 128),
            full(128, 128), full(8, 128), full(1, 128),
            full(1, 128),
        ],
        out_specs=pl.BlockSpec((1, 128), lambda b: (0, 0)),
        out_shape=jax.ShapeDtypeStruct((1, 128), jnp.float32),
    )(x2, pos2, W_lin.T, wp2, bp1, bp2, wno, wnp, bn, maxa)

    pos_out = jnp.zeros((1, 6), dtype=pos.dtype)
    batch_out = jnp.arange(1, dtype=jnp.int32)
    return (pooled, pos_out, batch_out)

# --- scband reference (transcript-rebuilt; emitter-appended) ---
"""Pipeline reference for scband-samodule-transformer-59923383714425 (READ-ONLY COPY).

The authoritative reference and input builder live on the scoring server;
editing this copy changes nothing except your own understanding.
"""

import jax, jax.numpy as jnp
import numpy as np

N = 10000
D_IN = 128
D_OUT = 128
POS_D = 6
RATIO = 0.25
R = 0.4
MAX_NBR = 64
D_CAT = D_OUT + POS_D


def _fps(pos, ratio):
    n = pos.shape[0]
    m = int(np.ceil(ratio * n))
    sel = jnp.zeros((m,), dtype=jnp.int32)
    dists = jnp.sum((pos - pos[0]) ** 2, axis=-1)

    def body(i, carry):
        dists, sel = carry
        nxt = jnp.argmax(dists).astype(jnp.int32)
        sel = sel.at[i].set(nxt)
        d = jnp.sum((pos - pos[nxt]) ** 2, axis=-1)
        dists = jnp.minimum(dists, d)
        return (dists, sel)

    dists, sel = jax.lax.fori_loop(1, m, body, (dists, sel))
    return sel


def _radius_edges(pos, idx, r, max_nbr):
    q = pos[idx]
    d2 = jnp.sum(q * q, 1)[:, None] + jnp.sum(pos * pos, 1)[None, :] - 2.0 * (q @ pos.T)
    neg, nbr = jax.lax.top_k(-d2, max_nbr)
    valid = ((-neg) <= r * r).reshape(-1)
    col = nbr.reshape(-1).astype(jnp.int32)
    row = jnp.repeat(jnp.arange(q.shape[0], dtype=jnp.int32), max_nbr)
    return col, row, valid


def _segment_softmax(alpha, dst, num_segments):
    amax = jax.ops.segment_max(alpha, dst, num_segments=num_segments)
    amax = jnp.where(jnp.isfinite(amax), amax, 0.0)
    ex = jnp.exp(alpha - amax[dst])
    den = jax.ops.segment_sum(ex, dst, num_segments=num_segments)
    return ex / (den[dst] + 1e-16)


def _conv(x, pos, src, dst, mask, W_lin, W_src, W_dst, W_p1, b_p1, W_p2, b_p2, W_a, b_a):
    n = x.shape[0]
    h = x @ W_lin.T
    a_src = x @ W_src.T
    a_dst = x @ W_dst.T
    rel = pos[dst] - pos[src]
    delta = jax.nn.relu(rel @ W_p1.T + b_p1)
    delta = jax.nn.relu(delta @ W_p2.T + b_p2)
    alpha = a_dst[dst] - a_src[src] + delta
    alpha = alpha @ W_a.T + b_a
    alpha = jnp.where(mask[:, None], alpha, -jnp.inf)
    a = _segment_softmax(alpha, dst, n)
    msg = a * (h[src] + delta)
    return jax.ops.segment_sum(msg, dst, num_segments=n)


def setup_inputs(seed: int = 0):
    key = jax.random.key(seed)
    ks = jax.random.split(key, 16)
    s = 0.05
    return {
        "x": jax.random.normal(ks[0], (N, D_IN), dtype=jnp.float32),
        "pos": jax.random.uniform(ks[1], (N, POS_D), dtype=jnp.float32),
        "batch": jnp.zeros((N,), dtype=jnp.int32),
        "W_lin": jax.random.normal(ks[2], (D_OUT, D_IN), dtype=jnp.float32) * s,
        "W_src": jax.random.normal(ks[3], (D_OUT, D_IN), dtype=jnp.float32) * s,
        "W_dst": jax.random.normal(ks[4], (D_OUT, D_IN), dtype=jnp.float32) * s,
        "W_p1": jax.random.normal(ks[5], (64, POS_D), dtype=jnp.float32) * s,
        "b_p1": jnp.zeros((64,), dtype=jnp.float32),
        "W_p2": jax.random.normal(ks[6], (D_OUT, 64), dtype=jnp.float32) * s,
        "b_p2": jnp.zeros((D_OUT,), dtype=jnp.float32),
        "W_a": jax.random.normal(ks[7], (1, D_OUT), dtype=jnp.float32) * s,
        "b_a": jnp.zeros((1,), dtype=jnp.float32),
        "W_n2": jax.random.normal(ks[8], (D_OUT, D_CAT), dtype=jnp.float32) * s,
        "b_n2": jnp.zeros((D_OUT,), dtype=jnp.float32),
    }


def reference(x, pos, batch, W_lin, W_src, W_dst, W_p1, b_p1, W_p2, b_p2, W_a, b_a, W_n2, b_n2):
    idx = _fps(pos, RATIO)
    col, row, valid = _radius_edges(pos, idx, R, MAX_NBR)
    n = x.shape[0]
    loops = jnp.arange(n, dtype=jnp.int32)
    src = jnp.concatenate([col, loops])
    dst = jnp.concatenate([row, loops])
    mask = jnp.concatenate([valid, jnp.ones((n,), dtype=bool)])
    out = _conv(x, pos, src, dst, mask, W_lin, W_src, W_dst, W_p1, b_p1, W_p2, b_p2, W_a, b_a)
    h = jnp.concatenate([out, pos], axis=1) @ W_n2.T + b_n2
    num_graphs = 1
    pooled = jax.ops.segment_max(h, batch, num_segments=num_graphs)
    pos_out = jnp.zeros((pooled.shape[0], POS_D), dtype=pos.dtype)
    batch_out = jnp.arange(pooled.shape[0], dtype=jnp.int32)
    return (pooled, pos_out, batch_out)

if __name__ == "__main__":
    import jax
    _d = setup_inputs()
    print(jax.jit(kernel)(*tuple(_d.values())))

</pallas_src>

<mosaic_0001>
module attributes {stable_mosaic.version = 14 : i64} {
  func.func @_d2_kernel(%arg0: i32, %arg1: memref<128x8xf32, #tpu.memory_space<vmem>>, %arg2: memref<8x10000xf32, #tpu.memory_space<vmem>>, %arg3: memref<1x10000xf32, #tpu.memory_space<vmem>>, %arg4: memref<128x10000xf32, #tpu.memory_space<vmem>>) attributes {dimension_semantics = [#tpu.dimension_semantics<arbitrary>], iteration_bounds = array<i64: 20>, scalar_prefetch = 0 : i64, scratch_operands = 0 : i64, tpu.core_type = #tpu.core_type<tc>, window_params = [{transform_indices = @transform_0, window_bounds = array<i64: 128, 8>}, {pipeline_mode = #tpu.pipeline_mode<synchronous>, transform_indices = @transform_1, window_bounds = array<i64: 8, 10000>}, {pipeline_mode = #tpu.pipeline_mode<synchronous>, transform_indices = @transform_2, window_bounds = array<i64: 1, 10000>}, {transform_indices = @transform_3, window_bounds = array<i64: 128, 10000>}]} {
    %get3A = arith.constant 0 : index
    %get3A_0 = arith.constant 0 : index
    %get3A_1 = vector.load %arg1[%get3A, %get3A_0] : memref<128x8xf32, #tpu.memory_space<vmem>>, vector<128x8xf32>
    %mul3A = arith.mulf %get3A_1, %get3A_1 : vector<128x8xf32>
    %reduce_sum3A = arith.constant dense<0.000000e+00> : vector<128xf32>
    %reduce_sum3A_2 = vector.multi_reduction <add>, %mul3A, %reduce_sum3A [1] : vector<128x8xf32> to vector<128xf32>
    %broadcast_in_dim3A = vector.shape_cast %reduce_sum3A_2 : vector<128xf32> to vector<128x1xf32>
    %get3A_3 = arith.constant 0 : index
    %get3A_4 = arith.constant 0 : index
    %get3A_5 = vector.load %arg3[%get3A_3, %get3A_4] : memref<1x10000xf32, #tpu.memory_space<vmem>>, vector<1x10000xf32>
    %add3A = vector.broadcast %broadcast_in_dim3A : vector<128x1xf32> to vector<128x10000xf32>
    %add3A_6 = vector.broadcast %get3A_5 : vector<1x10000xf32> to vector<128x10000xf32>
    %add3A_7 = arith.addf %add3A, %add3A_6 : vector<128x10000xf32>
    %get3A_8 = arith.constant 0 : index
    %get3A_9 = arith.constant 0 : index
    %get3A_10 = vector.load %arg2[%get3A_8, %get3A_9] : memref<8x10000xf32, #tpu.memory_space<vmem>>, vector<8x10000xf32>
    %dot_general3A = arith.constant dense<0.000000e+00> : vector<128x10000xf32>
    %dot_general3A_11 = tpu.matmul %get3A_1, %get3A_10, %dot_general3A {dimension_numbers = #tpu.dot_dimension_numbers<[1], [0], [0], [1], [0, 0, 1, 1], [], []>, transpose_lhs_hint = false} : vector<128x8xf32>, vector<8x10000xf32>, vector<128x10000xf32> -> vector<128x10000xf32>
    %mul3A_12 = arith.constant 2.000000e+00 : f32
    %mul3A_13 = vector.broadcast %mul3A_12 : f32 to vector<128x10000xf32>
    %mul3A_14 = arith.mulf %mul3A_13, %dot_general3A_11 : vector<128x10000xf32>
    %sub3A = arith.subf %add3A_7, %mul3A_14 : vector<128x10000xf32>
    %swap3A = arith.constant 0 : index
    %swap3A_15 = arith.constant 0 : index
    %swap3A_16 = vector.load %arg4[%swap3A, %swap3A_15] : memref<128x10000xf32, #tpu.memory_space<vmem>>, vector<128x10000xf32>
    tpu.vector_store %arg4[%swap3A, %swap3A_15], %sub3A {strides = array<i32>} : memref<128x10000xf32, #tpu.memory_space<vmem>>, vector<128x10000xf32>,
    return
  }
  func.func @transform_0(%arg0: i32) -> (i32, i32) {
    %c0_i32 = arith.constant 0 : i32
    %c0_i32_0 = arith.constant 0 : i32
    return %arg0, %c0_i32 : i32, i32
  }
  func.func @transform_1(%arg0: i32) -> (i32, i32) {
    %c0_i32 = arith.constant 0 : i32
    %c0_i32_0 = arith.constant 0 : i32
    %c0_i32_1 = arith.constant 0 : i32
    return %c0_i32, %c0_i32_0 : i32, i32
  }
  func.func @transform_2(%arg0: i32) -> (i32, i32) {
    %c0_i32 = arith.constant 0 : i32
    %c0_i32_0 = arith.constant 0 : i32
    %c0_i32_1 = arith.constant 0 : i32
    return %c0_i32, %c0_i32_0 : i32, i32
  }
  func.func @transform_3(%arg0: i32) -> (i32, i32) {
    %c0_i32 = arith.constant 0 : i32
    %c0_i32_0 = arith.constant 0 : i32
    return %arg0, %c0_i32 : i32, i32
  }
}

module attributes {stable_mosaic.version = 14 : i64} {
  func.func @_conv_attn_kernel(%arg0: i32, %arg1: memref<8192x8xf32, #tpu.memory_space<vmem>>, %arg2: memref<8192x128xf32, #tpu.memory_space<vmem>>, %arg3: memref<128x64xf32, #tpu.memory_space<vmem>>, %arg4: memref<128x64xf32, #tpu.memory_space<vmem>>, %arg5: memref<128x1xf32, #tpu.memory_space<vmem>>, %arg6: memref<128x1xf32, #tpu.memory_space<vmem>>, %arg7: memref<128x128xf32, #tpu.memory_space<vmem>>, %arg8: memref<128x8xf32, #tpu.memory_space<vmem>>, %arg9: memref<8x64xf32, #tpu.memory_space<vmem>>, %arg10: memref<1x64xf32, #tpu.memory_space<vmem>>, %arg11: memref<64x128xf32, #tpu.memory_space<vmem>>, %arg12: memref<1x128xf32, #tpu.memory_space<vmem>>, %arg13: memref<1x128xf32, #tpu.memory_space<vmem>>, %arg14: memref<1x1xf32, #tpu.memory_space<vmem>>, %arg15: memref<128x128xf32, #tpu.memory_space<vmem>>, %arg16: memref<8x128xf32, #tpu.memory_space<vmem>>, %arg17: memref<1x128xf32, #tpu.memory_space<vmem>>, %arg18: memref<1x128xf32, #tpu.memory_space<vmem>>) attributes {dimension_semantics = [#tpu.dimension_semantics<arbitrary>], iteration_bounds = array<i64: 20>, scalar_prefetch = 0 : i64, scratch_operands = 0 : i64, tpu.core_type = #tpu.core_type<tc>, window_params = [{transform_indices = @transform_0, window_bounds = array<i64: 8192, 8>}, {transform_indices = @transform_1, window_bounds = array<i64: 8192, 128>}, {transform_indices = @transform_2, window_bounds = array<i64: 128, 64>}, {transform_indices = @transform_3, window_bounds = array<i64: 128, 64>}, {transform_indices = @transform_4, window_bounds = array<i64: 128, 1>}, {transform_indices = @transform_5, window_bounds = array<i64: 128, 1>}, {transform_indices = @transform_6, window_bounds = array<i64: 128, 128>}, {transform_indices = @transform_7, window_bounds = array<i64: 128, 8>}, {pipeline_mode = #tpu.pipeline_mode<synchronous>, transform_indices = @transform_8, window_bounds = array<i64: 8, 64>}, {pipeline_mode = #tpu.pipeline_mode<synchronous>, transform_indices = @transform_9, window_bounds = array<i64: 1, 64>}, {pipeline_mode = #tpu.pipeline_mode<synchronous>, transform_indices = @transform_10, window_bounds = array<i64: 64, 128>}, {pipeline_mode = #tpu.pipeline_mode<synchronous>, transform_indices = @transform_11, window_bounds = array<i64: 1, 128>}, {pipeline_mode = #tpu.pipeline_mode<synchronous>, transform_indices = @transform_12, window_bounds = array<i64: 1, 128>}, {pipeline_mode = #tpu.pipeline_mode<synchronous>, transform_indices = @transform_13, window_bounds = array<i64: 1, 1>}, {pipeline_mode = #tpu.pipeline_mode<synchronous>, transform_indices = @transform_14, window_bounds = array<i64: 128, 128>}, {pipeline_mode = #tpu.pipeline_mode<synchronous>, transform_indices = @transform_15, window_bounds = array<i64: 8, 128>}, {pipeline_mode = #tpu.pipeline_mode<synchronous>, transform_indices = @transform_16, window_bounds = array<i64: 1, 128>}, {pipeline_mode = #tpu.pipeline_mode<synchronous>, transform_indices = @transform_17, window_bounds = array<i64: 1, 128>}]} {
    %get3A = arith.constant 0 : index
    %get3A_0 = arith.constant 0 : index
    %get3A_1 = vector.load %arg1[%get3A, %get3A_0] : memref<8192x8xf32, #tpu.memory_space<vmem>>, vector<8192x8xf32>
    %reshape3A = vector.shape_cast %get3A_1 : vector<8192x8xf32> to vector<128x64x8xf32>
    %get3A_2 = arith.constant 0 : index
    %get3A_3 = arith.constant 0 : index
    %get3A_4 = vector.load %arg8[%get3A_2, %get3A_3] : memref<128x8xf32, #tpu.memory_space<vmem>>, vector<128x8xf32>
    %broadcast_in_dim3A = vector.shape_cast %get3A_4 : vector<128x8xf32> to vector<128x1x8xf32>
    %sub3A = vector.broadcast %broadcast_in_dim3A : vector<128x1x8xf32> to vector<128x64x8xf32>
    %sub3A_5 = arith.subf %sub3A, %reshape3A : vector<128x64x8xf32>
    %reshape3A_6 = vector.shape_cast %sub3A_5 : vector<128x64x8xf32> to vector<8192x8xf32>
    %get3A_7 = arith.constant 0 : index
    %get3A_8 = arith.constant 0 : index
    %get3A_9 = vector.load %arg9[%get3A_7, %get3A_8] : memref<8x64xf32, #tpu.memory_space<vmem>>, vector<8x64xf32>
    %dot_general3A = arith.constant dense<0.000000e+00> : vector<8192x64xf32>
    %dot_general3A_10 = tpu.matmul %reshape3A_6, %get3A_9, %dot_general3A {dimension_numbers = #tpu.dot_dimension_numbers<[1], [0], [0], [1], [0, 0, 1, 1], [], []>, transpose_lhs_hint = false} : vector<8192x8xf32>, vector<8x64xf32>, vector<8192x64xf32> -> vector<8192x64xf32>
    %get3A_11 = arith.constant 0 : index
    %get3A_12 = arith.constant 0 : index
    %get3A_13 = vector.load %arg10[%get3A_11, %get3A_12] : memref<1x64xf32, #tpu.memory_space<vmem>>, vector<1x64xf32>
    %add3A = vector.broadcast %get3A_13 : vector<1x64xf32> to vector<8192x64xf32>
    %add3A_14 = arith.addf %dot_general3A_10, %add3A : vector<8192x64xf32>
    %max3A = arith.constant 0.000000e+00 : f32
    %max3A_15 = vector.broadcast %max3A : f32 to vector<8192x64xf32>
    %max3A_16 = arith.maximumf %add3A_14, %max3A_15 : vector<8192x64xf32>
    %get3A_17 = arith.constant 0 : index
    %get3A_18 = arith.constant 0 : index
    %get3A_19 = vector.load %arg11[%get3A_17, %get3A_18] : memref<64x128xf32, #tpu.memory_space<vmem>>, vector<64x128xf32>
    %dot_general3A_20 = arith.constant dense<0.000000e+00> : vector<8192x128xf32>
    %dot_general3A_21 = tpu.matmul %max3A_16, %get3A_19, %dot_general3A_20 {dimension_numbers = #tpu.dot_dimension_numbers<[1], [0], [0], [1], [0, 0, 1, 1], [], []>, transpose_lhs_hint = false} : vector<8192x64xf32>, vector<64x128xf32>, vector<8192x128xf32> -> vector<8192x128xf32>
    %get3A_22 = arith.constant 0 : index
    %get3A_23 = arith.constant 0 : index
    %get3A_24 = vector.load %arg12[%get3A_22, %get3A_23] : memref<1x128xf32, #tpu.memory_space<vmem>>, vector<1x128xf32>
    %add3A_25 = vector.broadcast %get3A_24 : vector<1x128xf32> to vector<8192x128xf32>
    %add3A_26 = arith.addf %dot_general3A_21, %add3A_25 : vector<8192x128xf32>
    %max3A_27 = arith.constant 0.000000e+00 : f32
    %max3A_28 = vector.broadcast %max3A_27 : f32 to vector<8192x128xf32>
    %max3A_29 = arith.maximumf %add3A_26, %max3A_28 : vector<8192x128xf32>
    %reshape3A_30 = vector.shape_cast %max3A_29 : vector<8192x128xf32> to vector<128x64x128xf32>
    %get3A_31 = arith.constant 0 : index
    %get3A_32 = arith.constant 0 : index
    %get3A_33 = vector.load %arg13[%get3A_31, %get3A_32] : memref<1x128xf32, #tpu.memory_space<vmem>>, vector<1x128xf32>
    %broadcast_in_dim3A_34 = vector.shape_cast %get3A_33 : vector<1x128xf32> to vector<1x1x128xf32>
    %mul3A = vector.broadcast %broadcast_in_dim3A_34 : vector<1x1x128xf32> to vector<128x64x128xf32>
    %mul3A_35 = arith.mulf %reshape3A_30, %mul3A : vector<128x64x128xf32>
    %reduce_sum3A = arith.constant dense<0.000000e+00> : vector<128x64xf32>
    %reduce_sum3A_36 = vector.multi_reduction <add>, %mul3A_35, %reduce_sum3A [2] : vector<128x64x128xf32> to vector<128x64xf32>
    %get3A_37 = arith.constant 0 : index
    %get3A_38 = arith.constant 0 : index
    %get3A_39 = vector.load %arg10[%get3A_37, %get3A_38] : memref<1x64xf32, #tpu.memory_space<vmem>>, vector<1x64xf32>
    %max3A_40 = arith.constant 0.000000e+00 : f32
    %max3A_41 = vector.broadcast %max3A_40 : f32 to vector<1x64xf32>
    %max3A_42 = arith.maximumf %get3A_39, %max3A_41 : vector<1x64xf32>
    %get3A_43 = arith.constant 0 : index
    %get3A_44 = arith.constant 0 : index
    %get3A_45 = vector.load %arg11[%get3A_43, %get3A_44] : memref<64x128xf32, #tpu.memory_space<vmem>>, vector<64x128xf32>
    %dot_general3A_46 = arith.constant dense<0.000000e+00> : vector<1x128xf32>
    %dot_general3A_47 = tpu.matmul %max3A_42, %get3A_45, %dot_general3A_46 {dimension_numbers = #tpu.dot_dimension_numbers<[1], [0], [0], [1], [0, 0, 1, 1], [], []>, transpose_lhs_hint = false} : vector<1x64xf32>, vector<64x128xf32>, vector<1x128xf32> -> vector<1x128xf32>
    %get3A_48 = arith.constant 0 : index
    %get3A_49 = arith.constant 0 : index
    %get3A_50 = vector.load %arg12[%get3A_48, %get3A_49] : memref<1x128xf32, #tpu.memory_space<vmem>>, vector<1x128xf32>
    %add3A_51 = arith.addf %dot_general3A_47, %get3A_50 : vector<1x128xf32>
    %max3A_52 = arith.constant 0.000000e+00 : f32
    %max3A_53 = vector.broadcast %max3A_52 : f32 to vector<1x128xf32>
    %max3A_54 = arith.maximumf %add3A_51, %max3A_53 : vector<1x128xf32>
    %mul3A_55 = arith.mulf %max3A_54, %get3A_33 : vector<1x128xf32>
    %reduce_sum3A_56 = arith.constant dense<0.000000e+00> : vector<1xf32>
    %reduce_sum3A_57 = vector.multi_reduction <add>, %mul3A_55, %reduce_sum3A_56 [1] : vector<1x128xf32> to vector<1xf32>
    %broadcast_in_dim3A_58 = vector.shape_cast %reduce_sum3A_57 : vector<1xf32> to vector<1x1xf32>
    %get3A_59 = arith.constant 0 : index
    %get3A_60 = arith.constant 0 : index
    %get3A_61 = vector.load %arg5[%get3A_59, %get3A_60] : memref<128x1xf32, #tpu.memory_space<vmem>>, vector<128x1xf32>
    %get3A_62 = arith.constant 0 : index
    %get3A_63 = arith.constant 0 : index
    %get3A_64 = vector.load %arg14[%get3A_62, %get3A_63] : memref<1x1xf32, #tpu.memory_space<vmem>>, vector<1x1xf32>
    %get3A_65 = arith.constant 0 : index
    %get3A_66 = arith.constant 0 : index
    %get3A_67 = vector.load %arg4[%get3A_65, %get3A_66] : memref<128x64xf32, #tpu.memory_space<vmem>>, vector<128x64xf32>
    %gt3A = arith.constant 0.000000e+00 : f32
    %gt3A_68 = vector.broadcast %gt3A : f32 to vector<128x64xf32>
    %gt3A_69 = arith.cmpf ogt, %get3A_67, %gt3A_68 : vector<128x64xf32>
    %get3A_70 = arith.constant 0 : index
    %get3A_71 = arith.constant 0 : index
    %get3A_72 = vector.load %arg3[%get3A_70, %get3A_71] : memref<128x64xf32, #tpu.memory_space<vmem>>, vector<128x64xf32>
    %sub3A_73 = vector.broadcast %get3A_61 : vector<128x1xf32> to vector<128x64xf32>
    %sub3A_74 = arith.subf %sub3A_73, %get3A_72 : vector<128x64xf32>
    %add3A_75 = arith.addf %sub3A_74, %reduce_sum3A_36 : vector<128x64xf32>
    %add3A_76 = vector.broadcast %get3A_64 : vector<1x1xf32> to vector<128x64xf32>
    %add3A_77 = arith.addf %add3A_75, %add3A_76 : vector<128x64xf32>
    %jit3A = arith.constant -1.000000e+30 : f32
    %broadcast_in_dim3A_78 = vector.broadcast %jit3A : f32 to vector<128x64xf32>
    %select_n3A = arith.select %gt3A_69, %add3A_77, %broadcast_in_dim3A_78 : vector<128x64xi1>, vector<128x64xf32>
    %get3A_79 = arith.constant 0 : index
    %get3A_80 = arith.constant 0 : index
    %get3A_81 = vector.load %arg6[%get3A_79, %get3A_80] : memref<128x1xf32, #tpu.memory_space<vmem>>, vector<128x1xf32>
    %sub3A_82 = arith.subf %get3A_61, %get3A_81 : vector<128x1xf32>
    %add3A_83 = vector.broadcast %broadcast_in_dim3A_58 : vector<1x1xf32> to vector<128x1xf32>
    %add3A_84 = arith.addf %sub3A_82, %add3A_83 : vector<128x1xf32>
    %add3A_85 = vector.broadcast %get3A_64 : vector<1x1xf32> to vector<128x1xf32>
    %add3A_86 = arith.addf %add3A_84, %add3A_85 : vector<128x1xf32>
    %reduce_max3A = arith.constant dense<0xFF800000> : vector<128xf32>
    %reduce_max3A_87 = vector.multi_reduction <maximumf>, %select_n3A, %reduce_max3A [1] : vector<128x64xf32> to vector<128xf32>
    %broadcast_in_dim3A_88 = vector.shape_cast %reduce_max3A_87 : vector<128xf32> to vector<128x1xf32>
    %max3A_89 = arith.maximumf %broadcast_in_dim3A_88, %add3A_86 : vector<128x1xf32>
    %sub3A_90 = vector.broadcast %max3A_89 : vector<128x1xf32> to vector<128x64xf32>
    %sub3A_91 = arith.subf %select_n3A, %sub3A_90 : vector<128x64xf32>
    %exp3A = math.exp %sub3A_91 : vector<128x64xf32>
    %jit3A_92 = arith.constant 0.000000e+00 : f32
    %broadcast_in_dim3A_93 = vector.broadcast %jit3A_92 : f32 to vector<128x64xf32>
    %select_n3A_94 = arith.select %gt3A_69, %exp3A, %broadcast_in_dim3A_93 : vector<128x64xi1>, vector<128x64xf32>
    %sub3A_95 = arith.subf %add3A_86, %max3A_89 : vector<128x1xf32>
    %exp3A_96 = math.exp %sub3A_95 : vector<128x1xf32>
    %reduce_sum3A_97 = arith.constant dense<0.000000e+00> : vector<128xf32>
    %reduce_sum3A_98 = vector.multi_reduction <add>, %select_n3A_94, %reduce_sum3A_97 [1] : vector<128x64xf32> to vector<128xf32>
    %broadcast_in_dim3A_99 = vector.shape_cast %reduce_sum3A_98 : vector<128xf32> to vector<128x1xf32>
    %add3A_100 = arith.addf %broadcast_in_dim3A_99, %exp3A_96 : vector<128x1xf32>
    %add3A_101 = arith.constant 1.000000e-16 : f32
    %add3A_102 = vector.broadcast %add3A_101 : f32 to vector<128x1xf32>
    %add3A_103 = arith.addf %add3A_100, %add3A_102 : vector<128x1xf32>
    %get3A_104 = arith.constant 0 : index
    %get3A_105 = arith.constant 0 : index
    %get3A_106 = vector.load %arg2[%get3A_104, %get3A_105] : memref<8192x128xf32, #tpu.memory_space<vmem>>, vector<8192x128xf32>
    %reshape3A_107 = vector.shape_cast %get3A_106 : vector<8192x128xf32> to vector<128x64x128xf32>
    %broadcast_in_dim3A_108 = vector.shape_cast %select_n3A_94 : vector<128x64xf32> to vector<128x64x1xf32>
    %add3A_109 = arith.addf %reshape3A_107, %reshape3A_30 : vector<128x64x128xf32>
    %mul3A_110 = vector.broadcast %broadcast_in_dim3A_108 : vector<128x64x1xf32> to vector<128x64x128xf32>
    %mul3A_111 = arith.mulf %mul3A_110, %add3A_109 : vector<128x64x128xf32>
    %reduce_sum3A_112 = arith.constant dense<0.000000e+00> : vector<128x128xf32>
    %reduce_sum3A_113 = vector.multi_reduction <add>, %mul3A_111, %reduce_sum3A_112 [1] : vector<128x64x128xf32> to vector<128x128xf32>
    %get3A_114 = arith.constant 0 : index
    %get3A_115 = arith.constant 0 : index
    %get3A_116 = vector.load %arg7[%get3A_114, %get3A_115] : memref<128x128xf32, #tpu.memory_space<vmem>>, vector<128x128xf32>
    %add3A_117 = vector.broadcast %max3A_54 : vector<1x128xf32> to vector<128x128xf32>
    %add3A_118 = arith.addf %get3A_116, %add3A_117 : vector<128x128xf32>
    %mul3A_119 = vector.broadcast %exp3A_96 : vector<128x1xf32> to vector<128x128xf32>
    %mul3A_120 = arith.mulf %mul3A_119, %add3A_118 : vector<128x128xf32>
    %add3A_121 = arith.addf %reduce_sum3A_113, %mul3A_120 : vector<128x128xf32>
    %div3A = vector.broadcast %add3A_103 : vector<128x1xf32> to vector<128x128xf32>
    %div3A_122 = arith.divf %add3A_121, %div3A : vector<128x128xf32>
    %get3A_123 = arith.constant 0 : index
    %get3A_124 = arith.constant 0 : index
    %get3A_125 = vector.load %arg15[%get3A_123, %get3A_124] : memref<128x128xf32, #tpu.memory_space<vmem>>, vector<128x128xf32>
    %dot_general3A_126 = arith.constant dense<0.000000e+00> : vector<128x128xf32>
    %dot_general3A_127 = tpu.matmul %div3A_122, %get3A_125, %dot_general3A_126 {dimension_numbers = #tpu.dot_dimension_numbers<[1], [0], [0], [1], [0, 0, 1, 1], [], []>, transpose_lhs_hint = false} : vector<128x128xf32>, vector<128x128xf32>, vector<128x128xf32> -> vector<128x128xf32>
    %get3A_128 = arith.constant 0 : index
    %get3A_129 = arith.constant 0 : index
    %get3A_130 = vector.load %arg16[%get3A_128, %get3A_129] : memref<8x128xf32, #tpu.memory_space<vmem>>, vector<8x128xf32>
    %dot_general3A_131 = arith.constant dense<0.000000e+00> : vector<128x128xf32>
    %dot_general3A_132 = tpu.matmul %get3A_4, %get3A_130, %dot_general3A_131 {dimension_numbers = #tpu.dot_dimension_numbers<[1], [0], [0], [1], [0, 0, 1, 1], [], []>, transpose_lhs_hint = false} : vector<128x8xf32>, vector<8x128xf32>, vector<128x128xf32> -> vector<128x128xf32>
    %add3A_133 = arith.addf %dot_general3A_127, %dot_general3A_132 : vector<128x128xf32>
    %get3A_134 = arith.constant 0 : index
    %get3A_135 = arith.constant 0 : index
    %get3A_136 = vector.load %arg17[%get3A_134, %get3A_135] : memref<1x128xf32, #tpu.memory_space<vmem>>, vector<1x128xf32>
    %add3A_137 = vector.broadcast %get3A_136 : vector<1x128xf32> to vector<128x128xf32>
    %add3A_138 = arith.addf %add3A_133, %add3A_137 : vector<128x128xf32>
    %reduce_max3A_139 = arith.constant dense<0xFF800000> : vector<128xf32>
    %reduce_max3A_140 = vector.multi_reduction <maximumf>, %add3A_138, %reduce_max3A_139 [0] : vector<128x128xf32> to vector<128xf32>
    %broadcast_in_dim3A_141 = vector.shape_cast %reduce_max3A_140 : vector<128xf32> to vector<1x128xf32>
    %eq3A = arith.constant 0 : i32
    %eq3A_142 = arith.cmpi eq, %arg0, %eq3A : i32
    %convert_element_type3A = arith.extui %eq3A_142 : i1 to i32
    %cond3A = arith.constant 0 : i32
    %cond3A_143 = arith.cmpi ne, %convert_element_type3A, %cond3A : i32
    scf.if %cond3A_143 {
      %swap3A = arith.constant 0 : index
      %swap3A_149 = arith.constant 0 : index
      %swap3A_150 = vector.load %arg18[%swap3A, %swap3A_149] : memref<1x128xf32, #tpu.memory_space<vmem>>, vector<1x128xf32>
      tpu.vector_store %arg18[%swap3A, %swap3A_149], %broadcast_in_dim3A_141 {strides = array<i32>} : memref<1x128xf32, #tpu.memory_space<vmem>>, vector<1x128xf32>,
    } else {
    }
    %gt3A_144 = arith.constant 0 : i32
    %gt3A_145 = arith.cmpi sgt, %arg0, %gt3A_144 : i32
    %convert_element_type3A_146 = arith.extui %gt3A_145 : i1 to i32
    %cond3A_147 = arith.constant 0 : i32
    %cond3A_148 = arith.cmpi ne, %convert_element_type3A_146, %cond3A_147 : i32
    scf.if %cond3A_148 {
      %get3A_149 = arith.constant 0 : index
      %get3A_150 = arith.constant 0 : index
      %get3A_151 = vector.load %arg18[%get3A_149, %get3A_150] : memref<1x128xf32, #tpu.memory_space<vmem>>, vector<1x128xf32>
      %max3A_152 = arith.maximumf %get3A_151, %broadcast_in_dim3A_141 : vector<1x128xf32>
      %swap3A = arith.constant 0 : index
      %swap3A_153 = arith.constant 0 : index
      %swap3A_154 = vector.load %arg18[%swap3A, %swap3A_153] : memref<1x128xf32, #tpu.memory_space<vmem>>, vector<1x128xf32>
      tpu.vector_store %arg18[%swap3A, %swap3A_153], %max3A_152 {strides = array<i32>} : memref<1x128xf32, #tpu.memory_space<vmem>>, vector<1x128xf32>,
    } else {
    }
    return
  }
  func.func @transform_0(%arg0: i32) -> (i32, i32) {
    %c0_i32 = arith.constant 0 : i32
    %c0_i32_0 = arith.constant 0 : i32
    return %arg0, %c0_i32 : i32, i32
  }
  func.func @transform_1(%arg0: i32) -> (i32, i32) {
    %c0_i32 = arith.constant 0 : i32
    %c0_i32_0 = arith.constant 0 : i32
    return %arg0, %c0_i32 : i32, i32
  }
  func.func @transform_2(%arg0: i32) -> (i32, i32) {
    %c0_i32 = arith.constant 0 : i32
    %c0_i32_0 = arith.constant 0 : i32
    return %arg0, %c0_i32 : i32, i32
  }
  func.func @transform_3(%arg0: i32) -> (i32, i32) {
    %c0_i32 = arith.constant 0 : i32
    %c0_i32_0 = arith.constant 0 : i32
    return %arg0, %c0_i32 : i32, i32
  }
  func.func @transform_4(%arg0: i32) -> (i32, i32) {
    %c0_i32 = arith.constant 0 : i32
    %c0_i32_0 = arith.constant 0 : i32
    return %arg0, %c0_i32 : i32, i32
  }
  func.func @transform_5(%arg0: i32) -> (i32, i32) {
    %c0_i32 = arith.constant 0 : i32
    %c0_i32_0 = arith.constant 0 : i32
    return %arg0, %c0_i32 : i32, i32
  }
  func.func @transform_6(%arg0: i32) -> (i32, i32) {
    %c0_i32 = arith.constant 0 : i32
    %c0_i32_0 = arith.constant 0 : i32
    return %arg0, %c0_i32 : i32, i32
  }
  func.func @transform_7(%arg0: i32) -> (i32, i32) {
    %c0_i32 = arith.constant 0 : i32
    %c0_i32_0 = arith.constant 0 : i32
    return %arg0, %c0_i32 : i32, i32
  }
  func.func @transform_8(%arg0: i32) -> (i32, i32) {
    %c0_i32 = arith.constant 0 : i32
    %c0_i32_0 = arith.constant 0 : i32
    %c0_i32_1 = arith.constant 0 : i32
    return %c0_i32, %c0_i32_0 : i32, i32
  }
  func.func @transform_9(%arg0: i32) -> (i32, i32) {
    %c0_i32 = arith.constant 0 : i32
    %c0_i32_0 = arith.constant 0 : i32
    %c0_i32_1 = arith.constant 0 : i32
    return %c0_i32, %c0_i32_0 : i32, i32
  }
  func.func @transform_10(%arg0: i32) -> (i32, i32) {
    %c0_i32 = arith.constant 0 : i32
    %c0_i32_0 = arith.constant 0 : i32
    %c0_i32_1 = arith.constant 0 : i32
    return %c0_i32, %c0_i32_0 : i32, i32
  }
  func.func @transform_11(%arg0: i32) -> (i32, i32) {
    %c0_i32 = arith.constant 0 : i32
    %c0_i32_0 = arith.constant 0 : i32
    %c0_i32_1 = arith.constant 0 : i32
    return %c0_i32, %c0_i32_0 : i32, i32
  }
  func.func @transform_12(%arg0: i32) -> (i32, i32) {
    %c0_i32 = arith.constant 0 : i32
    %c0_i32_0 = arith.constant 0 : i32
    %c0_i32_1 = arith.constant 0 : i32
    return %c0_i32, %c0_i32_0 : i32, i32
  }
  func.func @transform_13(%arg0: i32) -> (i32, i32) {
    %c0_i32 = arith.constant 0 : i32
    %c0_i32_0 = arith.constant 0 : i32
    %c0_i32_1 = arith.constant 0 : i32
    return %c0_i32, %c0_i32_0 : i32, i32
  }
  func.func @transform_14(%arg0: i32) -> (i32, i32) {
    %c0_i32 = arith.constant 0 : i32
    %c0_i32_0 = arith.constant 0 : i32
    %c0_i32_1 = arith.constant 0 : i32
    return %c0_i32, %c0_i32_0 : i32, i32
  }
  func.func @transform_15(%arg0: i32) -> (i32, i32) {
    %c0_i32 = arith.constant 0 : i32
    %c0_i32_0 = arith.constant 0 : i32
    %c0_i32_1 = arith.constant 0 : i32
    return %c0_i32, %c0_i32_0 : i32, i32
  }
  func.func @transform_16(%arg0: i32) -> (i32, i32) {
    %c0_i32 = arith.constant 0 : i32
    %c0_i32_0 = arith.constant 0 : i32
    %c0_i32_1 = arith.constant 0 : i32
    return %c0_i32, %c0_i32_0 : i32, i32
  }
  func.func @transform_17(%arg0: i32) -> (i32, i32) {
    %c0_i32 = arith.constant 0 : i32
    %c0_i32_0 = arith.constant 0 : i32
    %c0_i32_1 = arith.constant 0 : i32
    return %c0_i32, %c0_i32_0 : i32, i32
  }
}

module attributes {stable_mosaic.version = 14 : i64} {
  func.func @_selfloop_kernel(%arg0: i32, %arg1: memref<128x128xf32, #tpu.memory_space<vmem>>, %arg2: memref<128x8xf32, #tpu.memory_space<vmem>>, %arg3: memref<128x128xf32, #tpu.memory_space<vmem>>, %arg4: memref<64x128xf32, #tpu.memory_space<vmem>>, %arg5: memref<1x64xf32, #tpu.memory_space<vmem>>, %arg6: memref<1x128xf32, #tpu.memory_space<vmem>>, %arg7: memref<128x128xf32, #tpu.memory_space<vmem>>, %arg8: memref<8x128xf32, #tpu.memory_space<vmem>>, %arg9: memref<1x128xf32, #tpu.memory_space<vmem>>, %arg10: memref<1x128xf32, #tpu.memory_space<vmem>>, %arg11: memref<1x128xf32, #tpu.memory_space<vmem>>) attributes {dimension_semantics = [#tpu.dimension_semantics<arbitrary>], iteration_bounds = array<i64: 60>, scalar_prefetch = 0 : i64, scratch_operands = 0 : i64, tpu.core_type = #tpu.core_type<tc>, window_params = [{transform_indices = @transform_0, window_bounds = array<i64: 128, 128>}, {transform_indices = @transform_1, window_bounds = array<i64: 128, 8>}, {pipeline_mode = #tpu.pipeline_mode<synchronous>, transform_indices = @transform_2, window_bounds = array<i64: 128, 128>}, {pipeline_mode = #tpu.pipeline_mode<synchronous>, transform_indices = @transform_3, window_bounds = array<i64: 64, 128>}, {pipeline_mode = #tpu.pipeline_mode<synchronous>, transform_indices = @transform_4, window_bounds = array<i64: 1, 64>}, {pipeline_mode = #tpu.pipeline_mode<synchronous>, transform_indices = @transform_5, window_bounds = array<i64: 1, 128>}, {pipeline_mode = #tpu.pipeline_mode<synchronous>, transform_indices = @transform_6, window_bounds = array<i64: 128, 128>}, {pipeline_mode = #tpu.pipeline_mode<synchronous>, transform_indices = @transform_7, window_bounds = array<i64: 8, 128>}, {pipeline_mode = #tpu.pipeline_mode<synchronous>, transform_indices = @transform_8, window_bounds = array<i64: 1, 128>}, {pipeline_mode = #tpu.pipeline_mode<synchronous>, transform_indices = @transform_9, window_bounds = array<i64: 1, 128>}, {pipeline_mode = #tpu.pipeline_mode<synchronous>, transform_indices = @transform_10, window_bounds = array<i64: 1, 128>}]} {
    %get3A = arith.constant 0 : index
    %get3A_0 = arith.constant 0 : index
    %get3A_1 = vector.load %arg1[%get3A, %get3A_0] : memref<128x128xf32, #tpu.memory_space<vmem>>, vector<128x128xf32>
    %get3A_2 = arith.constant 0 : index
    %get3A_3 = arith.constant 0 : index
    %get3A_4 = vector.load %arg3[%get3A_2, %get3A_3] : memref<128x128xf32, #tpu.memory_space<vmem>>, vector<128x128xf32>
    %dot_general3A = arith.constant dense<0.000000e+00> : vector<128x128xf32>
    %dot_general3A_5 = tpu.matmul %get3A_1, %get3A_4, %dot_general3A {dimension_numbers = #tpu.dot_dimension_numbers<[1], [0], [0], [1], [0, 0, 1, 1], [], []>, transpose_lhs_hint = false} : vector<128x128xf32>, vector<128x128xf32>, vector<128x128xf32> -> vector<128x128xf32>
    %get3A_6 = arith.constant 0 : index
    %get3A_7 = arith.constant 0 : index
    %get3A_8 = vector.load %arg5[%get3A_6, %get3A_7] : memref<1x64xf32, #tpu.memory_space<vmem>>, vector<1x64xf32>
    %max3A = arith.constant 0.000000e+00 : f32
    %max3A_9 = vector.broadcast %max3A : f32 to vector<1x64xf32>
    %max3A_10 = arith.maximumf %get3A_8, %max3A_9 : vector<1x64xf32>
    %get3A_11 = arith.constant 0 : index
    %get3A_12 = arith.constant 0 : index
    %get3A_13 = vector.load %arg4[%get3A_11, %get3A_12] : memref<64x128xf32, #tpu.memory_space<vmem>>, vector<64x128xf32>
    %dot_general3A_14 = arith.constant dense<0.000000e+00> : vector<1x128xf32>
    %dot_general3A_15 = tpu.matmul %max3A_10, %get3A_13, %dot_general3A_14 {dimension_numbers = #tpu.dot_dimension_numbers<[1], [0], [0], [1], [0, 0, 1, 1], [], []>, transpose_lhs_hint = false} : vector<1x64xf32>, vector<64x128xf32>, vector<1x128xf32> -> vector<1x128xf32>
    %get3A_16 = arith.constant 0 : index
    %get3A_17 = arith.constant 0 : index
    %get3A_18 = vector.load %arg6[%get3A_16, %get3A_17] : memref<1x128xf32, #tpu.memory_space<vmem>>, vector<1x128xf32>
    %add3A = arith.addf %dot_general3A_15, %get3A_18 : vector<1x128xf32>
    %max3A_19 = arith.constant 0.000000e+00 : f32
    %max3A_20 = vector.broadcast %max3A_19 : f32 to vector<1x128xf32>
    %max3A_21 = arith.maximumf %add3A, %max3A_20 : vector<1x128xf32>
    %add3A_22 = vector.broadcast %max3A_21 : vector<1x128xf32> to vector<128x128xf32>
    %add3A_23 = arith.addf %dot_general3A_5, %add3A_22 : vector<128x128xf32>
    %get3A_24 = arith.constant 0 : index
    %get3A_25 = arith.constant 0 : index
    %get3A_26 = vector.load %arg7[%get3A_24, %get3A_25] : memref<128x128xf32, #tpu.memory_space<vmem>>, vector<128x128xf32>
    %dot_general3A_27 = arith.constant dense<0.000000e+00> : vector<128x128xf32>
    %dot_general3A_28 = tpu.matmul %add3A_23, %get3A_26, %dot_general3A_27 {dimension_numbers = #tpu.dot_dimension_numbers<[1], [0], [0], [1], [0, 0, 1, 1], [], []>, transpose_lhs_hint = false} : vector<128x128xf32>, vector<128x128xf32>, vector<128x128xf32> -> vector<128x128xf32>
    %get3A_29 = arith.constant 0 : index
    %get3A_30 = arith.constant 0 : index
    %get3A_31 = vector.load %arg2[%get3A_29, %get3A_30] : memref<128x8xf32, #tpu.memory_space<vmem>>, vector<128x8xf32>
    %get3A_32 = arith.constant 0 : index
    %get3A_33 = arith.constant 0 : index
    %get3A_34 = vector.load %arg8[%get3A_32, %get3A_33] : memref<8x128xf32, #tpu.memory_space<vmem>>, vector<8x128xf32>
    %dot_general3A_35 = arith.constant dense<0.000000e+00> : vector<128x128xf32>
    %dot_general3A_36 = tpu.matmul %get3A_31, %get3A_34, %dot_general3A_35 {dimension_numbers = #tpu.dot_dimension_numbers<[1], [0], [0], [1], [0, 0, 1, 1], [], []>, transpose_lhs_hint = false} : vector<128x8xf32>, vector<8x128xf32>, vector<128x128xf32> -> vector<128x128xf32>
    %add3A_37 = arith.addf %dot_general3A_28, %dot_general3A_36 : vector<128x128xf32>
    %get3A_38 = arith.constant 0 : index
    %get3A_39 = arith.constant 0 : index
    %get3A_40 = vector.load %arg9[%get3A_38, %get3A_39] : memref<1x128xf32, #tpu.memory_space<vmem>>, vector<1x128xf32>
    %add3A_41 = vector.broadcast %get3A_40 : vector<1x128xf32> to vector<128x128xf32>
    %add3A_42 = arith.addf %add3A_37, %add3A_41 : vector<128x128xf32>
    %mul3A = arith.constant 128 : i32
    %mul3A_43 = arith.muli %arg0, %mul3A : i32
    %add3A_44 = arith.constant 2560 : i32
    %add3A_45 = arith.addi %add3A_44, %mul3A_43 : i32
    %iota3A = tpu.iota {dimensions = array<i32: 0>} : vector<128x1xi32>
    %add3A_46 = vector.broadcast %add3A_45 : i32 to vector<128x1xi32>
    %add3A_47 = arith.addi %add3A_46, %iota3A : vector<128x1xi32>
    %lt3A = arith.constant 10000 : i32
    %lt3A_48 = vector.broadcast %lt3A : i32 to vector<128x1xi32>
    %lt3A_49 = arith.cmpi slt, %add3A_47, %lt3A_48 : vector<128x1xi32>
    %jit3A = arith.constant -1.000000e+30 : f32
    %broadcast_in_dim3A = vector.shape_cast %lt3A_49 : vector<128x1xi1> to vector<128x1xi1>
    %broadcast_in_dim3A_50 = vector.broadcast %broadcast_in_dim3A : vector<128x1xi1> to vector<128x128xi1>
    %broadcast_in_dim3A_51 = vector.broadcast %jit3A : f32 to vector<128x128xf32>
    %select_n3A = arith.select %broadcast_in_dim3A_50, %add3A_42, %broadcast_in_dim3A_51 : vector<128x128xi1>, vector<128x128xf32>
    %reduce_max3A = arith.constant dense<0xFF800000> : vector<128xf32>
    %reduce_max3A_52 = vector.multi_reduction <maximumf>, %select_n3A, %reduce_max3A [0] : vector<128x128xf32> to vector<128xf32>
    %broadcast_in_dim3A_53 = vector.shape_cast %reduce_max3A_52 : vector<128xf32> to vector<1x128xf32>
    %eq3A = arith.constant 0 : i32
    %eq3A_54 = arith.cmpi eq, %arg0, %eq3A : i32
    %convert_element_type3A = arith.extui %eq3A_54 : i1 to i32
    %cond3A = arith.constant 0 : i32
    %cond3A_55 = arith.cmpi ne, %convert_element_type3A, %cond3A : i32
    scf.if %cond3A_55 {
      %get3A_60 = arith.constant 0 : index
      %get3A_61 = arith.constant 0 : index
      %get3A_62 = vector.load %arg10[%get3A_60, %get3A_61] : memref<1x128xf32, #tpu.memory_space<vmem>>, vector<1x128xf32>
      %max3A_63 = arith.maximumf %get3A_62, %broadcast_in_dim3A_53 : vector<1x128xf32>
      %swap3A = arith.constant 0 : index
      %swap3A_64 = arith.constant 0 : index
      %swap3A_65 = vector.load %arg11[%swap3A, %swap3A_64] : memref<1x128xf32, #tpu.memory_space<vmem>>, vector<1x128xf32>
      tpu.vector_store %arg11[%swap3A, %swap3A_64], %max3A_63 {strides = array<i32>} : memref<1x128xf32, #tpu.memory_space<vmem>>, vector<1x128xf32>,
    } else {
    }
    %gt3A = arith.constant 0 : i32
    %gt3A_56 = arith.cmpi sgt, %arg0, %gt3A : i32
    %convert_element_type3A_57 = arith.extui %gt3A_56 : i1 to i32
    %cond3A_58 = arith.constant 0 : i32
    %cond3A_59 = arith.cmpi ne, %convert_element_type3A_57, %cond3A_58 : i32
    scf.if %cond3A_59 {
      %get3A_60 = arith.constant 0 : index
      %get3A_61 = arith.constant 0 : index
      %get3A_62 = vector.load %arg11[%get3A_60, %get3A_61] : memref<1x128xf32, #tpu.memory_space<vmem>>, vector<1x128xf32>
      %max3A_63 = arith.maximumf %get3A_62, %broadcast_in_dim3A_53 : vector<1x128xf32>
      %swap3A = arith.constant 0 : index
      %swap3A_64 = arith.constant 0 : index
      %swap3A_65 = vector.load %arg11[%swap3A, %swap3A_64] : memref<1x128xf32, #tpu.memory_space<vmem>>, vector<1x128xf32>
      tpu.vector_store %arg11[%swap3A, %swap3A_64], %max3A_63 {strides = array<i32>} : memref<1x128xf32, #tpu.memory_space<vmem>>, vector<1x128xf32>,
    } else {
    }
    return
  }
  func.func @transform_0(%arg0: i32) -> (i32, i32) {
    %c0_i32 = arith.constant 0 : i32
    %c0_i32_0 = arith.constant 0 : i32
    return %arg0, %c0_i32 : i32, i32
  }
  func.func @transform_1(%arg0: i32) -> (i32, i32) {
    %c0_i32 = arith.constant 0 : i32
    %c0_i32_0 = arith.constant 0 : i32
    return %arg0, %c0_i32 : i32, i32
  }
  func.func @transform_2(%arg0: i32) -> (i32, i32) {
    %c0_i32 = arith.constant 0 : i32
    %c0_i32_0 = arith.constant 0 : i32
    %c0_i32_1 = arith.constant 0 : i32
    return %c0_i32, %c0_i32_0 : i32, i32
  }
  func.func @transform_3(%arg0: i32) -> (i32, i32) {
    %c0_i32 = arith.constant 0 : i32
    %c0_i32_0 = arith.constant 0 : i32
    %c0_i32_1 = arith.constant 0 : i32
    return %c0_i32, %c0_i32_0 : i32, i32
  }
  func.func @transform_4(%arg0: i32) -> (i32, i32) {
    %c0_i32 = arith.constant 0 : i32
    %c0_i32_0 = arith.constant 0 : i32
    %c0_i32_1 = arith.constant 0 : i32
    return %c0_i32, %c0_i32_0 : i32, i32
  }
  func.func @transform_5(%arg0: i32) -> (i32, i32) {
    %c0_i32 = arith.constant 0 : i32
    %c0_i32_0 = arith.constant 0 : i32
    %c0_i32_1 = arith.constant 0 : i32
    return %c0_i32, %c0_i32_0 : i32, i32
  }
  func.func @transform_6(%arg0: i32) -> (i32, i32) {
    %c0_i32 = arith.constant 0 : i32
    %c0_i32_0 = arith.constant 0 : i32
    %c0_i32_1 = arith.constant 0 : i32
    return %c0_i32, %c0_i32_0 : i32, i32
  }
  func.func @transform_7(%arg0: i32) -> (i32, i32) {
    %c0_i32 = arith.constant 0 : i32
    %c0_i32_0 = arith.constant 0 : i32
    %c0_i32_1 = arith.constant 0 : i32
    return %c0_i32, %c0_i32_0 : i32, i32
  }
  func.func @transform_8(%arg0: i32) -> (i32, i32) {
    %c0_i32 = arith.constant 0 : i32
    %c0_i32_0 = arith.constant 0 : i32
    %c0_i32_1 = arith.constant 0 : i32
    return %c0_i32, %c0_i32_0 : i32, i32
  }
  func.func @transform_9(%arg0: i32) -> (i32, i32) {
    %c0_i32 = arith.constant 0 : i32
    %c0_i32_0 = arith.constant 0 : i32
    %c0_i32_1 = arith.constant 0 : i32
    return %c0_i32, %c0_i32_0 : i32, i32
  }
  func.func @transform_10(%arg0: i32) -> (i32, i32) {
    %c0_i32 = arith.constant 0 : i32
    %c0_i32_0 = arith.constant 0 : i32
    %c0_i32_1 = arith.constant 0 : i32
    return %c0_i32, %c0_i32_0 : i32, i32
  }
}

</mosaic_0001>

<sc_bundles>
// kernel: gather_offload_async_start
scs
__scs_entry_jumppad:
0x0: {  	(pc) =	sbr.rel $0x88, $3  }
0x1: {  	(tag) =	ssettag $0x0;
	lr =	simm.s32 $0x1  }
0x2: {  	[smem:$0x3F94] =	sst lr;
	_ =	strace $0xD0000000  }
0x3: {  	_ = 	snop  }
0x4: {  	_ = 	snop  }
0x5: {  	_ = 	snop  }
0x6: {  	_ = 	snop  }
0x7: {  	_ = 	snop  }
__scs_overlays_trampoline_lowered:
0x8: {  	[smem:$0x3FA3] =	sst s0  }
0x9: {  	[smem:$0x3FA4] =	sst s1  }
0xa: {  	[smem:$0x3FA5] =	sst s2  }
0xb: {  	[smem:$0x3FA6] =	sst s3  }
0xc: {  	[smem:$0x3FA7] =	sst s4  }
0xd: {  	[smem:$0x3FA8] =	sst s5  }
0xe: {  	[smem:$0x3FA9] =	sst s6  }
0xf: {  	[smem:$0x3FAA] =	sst s7  }
0x10: {  	[smem:$0x3FAB] =	sst s8  }
0x11: {  	[smem:$0x3FAC] =	sst s9;
	s0 =	simm.s32 @!p0 $0x0  }
0x12: {  	s1 =	sld [smem:$0x3F92];
	s0 =	simm.s32 @p0 $0x1  }
0x13: {  	[smem:$0x3FAD] =	sst s0;
	s0 =	simm.s32 @!p1 $0x0  }
0x14: {  	s2 =	sld [smem:$0x3F91];
	s0 =	simm.s32 @p1 $0x1  }
0x15: {  	[smem:$0x3FAE] =	sst s0;
	s0 =	simm.s32 @!p2 $0x0  }
0x16: {  	s3 =	sld [smem:$0x3FDB];
	s0 =	simm.s32 @p2 $0x1  }
0x17: {  	s4 =	simm.s32 $0x1BF5;
	[smem:$0x3FB0] =	sst s0  }
0x18: {  	s0 =	sld [smem:$0x3F93];
	_ =	swait.ge [sflag:s4], $0x0  }
0x19: {  	s7 =	sld [smem:$0x3F94]  }
0x1a: {  	s8 =	sadd.s32 $0xFFFFE003, lr  }
0x1b: {  	s9 =	sadd.s32 $0xFFFFFEF7, lr;
	s5 =	simm.s32 $0xFFFFFFFF;
	p2 =	slt.u32 s8, $0xFFFFF086  }
0x1c: {  	p1 =	slt.u32 s9, $0xF7A;
	s5 =	simm.s32 @!p2 $0x0  }
0x1d: {  	s5 =	simm.s32 @p1 $0x1;
	p0 =	seq.s32 s7, s2  }
0x1e: {  	s7 =	smul.u32 @!p0 $0xF7A, s2;
	p2 =	seq.s32 @!p0 s5, $0x0  }
0x1f: {  	s9 =	smul.u32 $0xF7A, s1;
	s8 =	simm.s32 @!p0 $0x1BF5;
	p2 =	por !p2, p0  }
0x20: {  	[sflag:s8] =	ssyncset.s32 @!p0 $0xFFFFF086;
	s6 =	sadd.s32 @!p0 s3, s7;
	s7 =	simm.s32 @!p0 $0x108  }
0x21: {  	s3 =	sadd.s32 s3, s9;
	s6 =	sadd.s32 @!p0 $0x88, s6;
	s7 =	simm.s32 @p2 $0x1082  }
0x22: {  	[simem:s7], [sflag:s8] =	dma.local @!p0 [hbm:s6], $0xF7A  }
0x23: {  	s9 =	sor.u32 $0xD0000000, s2;
	s6 =	simm.s32 $0x108;
	_ =	swait.ge @!p0 [sflag:s8], $0x0  }
0x24: {  	s3 =	sadd.s32 $0x88, s3;
	s6 =	simm.s32 @!p1 $0x1082;
	[sflag:s4] =	ssyncset.s32 $0xFFFFF086  }
0x25: {  	[simem:s6], [sflag:s4] =	dma.local [hbm:s3], $0xF7A  }
0x26: {  	[smem:$0x3F94] =	sst s1;
	(tag) =	ssettag s2;
	_ =	strace s9  }
0x27: {  	s1 =	sld [smem:$0x3FA4]  }
0x28: {  	s2 =	sld [smem:$0x3FA5]  }
0x29: {  	s4 =	sld [smem:$0x3FA7]  }
0x2a: {  	p0 =	seq.s32 s5, $0x0;
	s5 =	sld [smem:$0x3FA8]  }
0x2b: {  	s6 =	sld [smem:$0x3FA9]  }
0x2c: {  	s7 =	sld [smem:$0x3FAA]  }
0x2d: {  	s3 =	simm.s32 $0x108;
	s8 =	sld [smem:$0x3FAB]  }
0x2e: {  	s3 =	simm.s32 @!p0 $0x1082;
	s9 =	sld [smem:$0x3FAC]  }
0x2f: {  	lr =	sadd.s32 s0, s3;
	s0 =	sld [smem:$0x3FA3]  }
0x30: {  	s3 =	sld [smem:$0x3FA6]  }
0x31: {  	[smem:$0x3FAF] =	sst s10  }
0x32: {  	s10 =	sld [smem:$0x3FAD];
	_ =	sdelay $0x3  }
0x33: {  	p0 =	seq.s32 s10, $0x1;
	s10 =	sld [smem:$0x3FAF];
	_ =	sdelay $0x3  }
0x34: {  	[smem:$0x3FAF] =	sst s10  }
0x35: {  	s10 =	sld [smem:$0x3FAE];
	_ =	sdelay $0x3  }
0x36: {  	p1 =	seq.s32 s10, $0x1;
	s10 =	sld [smem:$0x3FAF];
	_ =	sdelay $0x3  }
0x37: {  	[smem:$0x3FAF] =	sst s10  }
0x38: {  	s10 =	sld [smem:$0x3FB0]  }
0x39: {  	_ = 	snop;
	(pc) =	sbr.ind lr, $3  }
0x3a: {  	_ = 	snop  }
0x3b: {  	_ = 	snop  }
0x3c: {  	p2 =	seq.s32 s10, $0x1;
	s10 =	sld [smem:$0x3FAF]  }
0x3d: {  	_ =	shalt  }
0x3e: {  	_ =	shalt  }
0x3f: {  	_ =	shalt  }
0x40: {  	_ =	shalt  }
0x41: {  	_ =	shalt  }
0x42: {  	_ =	shalt  }
0x43: {  	_ =	shalt  }
0x44: {  	_ =	shalt  }
0x45: {  	_ =	shalt  }
0x46: {  	_ =	shalt  }
0x47: {  	_ =	shalt  }
0x48: {  	_ =	shalt  }
0x49: {  	_ =	shalt  }
0x4a: {  	_ =	shalt  }
0x4b: {  	_ =	shalt  }
0x4c: {  	_ =	shalt  }
0x4d: {  	_ =	shalt  }
0x4e: {  	_ =	shalt  }
0x4f: {  	_ =	shalt  }
0x50: {  	_ =	shalt  }
0x51: {  	_ =	shalt  }
0x52: {  	_ =	shalt  }
0x53: {  	_ =	shalt  }
0x54: {  	_ =	shalt  }
0x55: {  	_ =	shalt  }
0x56: {  	_ =	shalt  }
0x57: {  	_ =	shalt  }
0x58: {  	_ =	shalt  }
0x59: {  	_ =	shalt  }
0x5a: {  	_ =	shalt  }
0x5b: {  	_ =	shalt  }
0x5c: {  	_ =	shalt  }
0x5d: {  	_ =	shalt  }
0x5e: {  	_ =	shalt  }
0x5f: {  	_ =	shalt  }
0x60: {  	_ =	shalt  }
0x61: {  	_ =	shalt  }
0x62: {  	_ =	shalt  }
0x63: {  	_ =	shalt  }
0x64: {  	_ =	shalt  }
0x65: {  	_ =	shalt  }
0x66: {  	_ =	shalt  }
0x67: {  	_ =	shalt  }
0x68: {  	_ =	shalt  }
0x69: {  	_ =	shalt  }
0x6a: {  	_ =	shalt  }
0x6b: {  	_ =	shalt  }
0x6c: {  	_ =	shalt  }
0x6d: {  	_ =	shalt  }
0x6e: {  	_ =	shalt  }
0x6f: {  	_ =	shalt  }
0x70: {  	_ =	shalt  }
0x71: {  	_ =	shalt  }
0x72: {  	_ =	shalt  }
0x73: {  	_ =	shalt  }
0x74: {  	_ =	shalt  }
0x75: {  	_ =	shalt  }
0x76: {  	_ =	shalt  }
0x77: {  	_ =	shalt  }
0x78: {  	_ =	shalt  }
0x79: {  	_ =	shalt  }
0x7a: {  	_ =	shalt  }
0x7b: {  	_ =	shalt  }
0x7c: {  	_ =	shalt  }
0x7d: {  	_ =	shalt  }
0x7e: {  	_ =	shalt  }
0x7f: {  	_ =	shalt  }
0x80: {  	_ =	shalt  }
0x81: {  	_ =	shalt  }
0x82: {  	_ =	shalt  }
0x83: {  	_ =	shalt  }
0x84: {  	_ =	shalt  }
0x85: {  	_ =	shalt  }
0x86: {  	_ =	shalt  }
0x87: {  	_ =	shalt  }
.Lfunc_end0:
.L_simem_size_0:
called_computation.1_lowered:
.L_overlay_start_0:
0x88: {  	s2 =	sld [smem:$0x3FD9]  }
0x89: {  	s3 =	sld [smem:$0x3FFE];
	_ =	sdelay $0x1  }
0x8a: {  	s1 =	srdreg.scid  }
0x8b: {  	s0 =	sand.u32 $0x1, s1  }
0x8c: {  	s16 =	sshll.u32 s0, $0xA;
	s2 =	sadd.s32 s3, s2  }
0x8d: {  	s2 =	sadd.s32 s2, s16  }
0x8e: {  	[smem:$0x3FBB] =	sst s2  }
0x8f: {  	_ = 	snop  }
0x90: {  	(tm) =	ssettm $0x1  }
0x91: {  	s17 =	sld [smem:$0x3FFB];
	_ =	sdelay $0x3  }
0x92: {  	_ =	strace s17  }
0x93: {  	s2 =	sld [smem:$0x3FFC];
	_ =	sdelay $0x3  }
0x94: {  	_ =	strace s2  }
0x95: {  	s2 =	sld [smem:$0x3FFD];
	_ =	sdelay $0x3  }
0x96: {  	_ =	strace s2  }
0x97: {  	_ =	strace $0x8FFFFFFF  }
0x98: {  	s18 =	sld [smem:$0x3FDB];
	_ =	sdelay $0x1  }
0x99: {  	s19 =	simm.s32 $_scs_section_size  }
0x9a: {  	s4 =	simm.s32 $_size__tile_overlayer_lowered;
	s5 =	simm.s32 $_tile_overlayer_lowered  }
0x9b: {  	s22 =	simm.s32 $0x1BFF;
	s21 =	sshll.u32 s5, $0x1;
	s2 =	sadd.s32 s19, s18  }
0x9c: {  	s6 =	simm.s32 $0x0;
	s20 =	sshll.u32 s4, $0x1;
	s4 =	sadd.s32 s21, s2  }
0x9d: {  	[timem:s6], [sflag:s22] =	dma.local [hbm:s4], s20  }
0x9e: {  	_ =	swait.ge [sflag:s22], s20  }
0x9f: {  	s3 =	ssub.s32 $0x0, s20;
	[sflag:s22] =	ssyncset.done $0x0  }
0xa0: {  	[sflag:s22] =	ssyncadd.s32 s3;
	_ =	sdelay $0x1  }
0xa1: {  	s23 =	simm.s32 $0x1B8B  }
0xa2: {  	_ =	swait.ge [sflag:s23], $0x1  }
0xa3: {  	[sflag:s23] =	ssyncset.done $0x0  }
0xa4: {  	s25 =	simm.s32 $0x1B8E;
	s24 =	sld [smem:$0x3FFE];
	[sflag:s23] =	ssyncadd.s32 $0xFFFFFFFF  }
0xa5: {  	s26 =	simm.s32 $execute0_lowered;
	[smem:$0x3FD2] =	sst s25  }
0xa6: {  	s4 =	sshll.u32 s26, $0x1;
	_ =	strace $0x80000049;
	[dreg:$0x1] =	wrdreg $0xFFFFFFFF  }
0xa7: {  	s28 =	simm.s32 $_size_execute0_lowered;
	s2 =	sadd.s32 s2, s4;
	[dreg:$0x0] =	wrdreg $0x0  }
0xa8: {  	s4 =	sshll.u32 s28, $0x1;
	[dreg:$0x2] =	wrdreg s2  }
0xa9: {  	[dreg:$0x3] =	wrdreg s4  }
0xaa: {  	[dreg:$0x4] =	wrdreg $0xC0  }
0xab: {  	_ =	task [dreg:s6], $0x5FFFF  }
0xac: {  	[dreg:$0x1] =	wrdreg $0xFFFFFFFF  }
0xad: {  	[dreg:$0x0] =	wrdreg $0x60  }
0xae: {  	[dreg:$0x2] =	wrdreg s24  }
0xaf: {  	[dreg:$0x3] =	wrdreg $0x9  }
0xb0: {  	_ =	task.clear_ibuf [dreg:s6], $0x4FFFF;
	_ =	strace $0x90000049  }
0xb1: {  	s29 =	simm.s32 $0x9;
	_ =	strace $0x8000004B  }
0xb2: {  	_ =	swait.ge [sflag:s29], $0x1  }
0xb3: {  	[sflag:s29] =	ssyncadd.s32 $0xFFFFFFFF  }
0xb4: {  	_ =	strace $0x9000004B  }
0xb5: {  	_ =	sfence  }
0xb6: {  	s30 =	sld [smem:$0x0];
	_ =	sdelay $0x2  }
0xb7: {  	s31 =	sshll.u32 s1, $0xD;
	s1 =	sshrl.u32 s1, $0x2  }
0xb8: {  	s3 =	sand.u32 $0x4000, s31;
	s1 =	sadd.s32 s1, s30  }
0xb9: {  	s0 =	sor.u32 s3, s0;
	s1 =	sshll.u32 s1, $0x11  }
0xba: {  	s0 =	sor.u32 s1, s0  }
0xbb: {  	s0 =	sadd.s32 $0x8F2B, s0  }
0xbc: {  	[sflag:s0] =	ssyncadd.remote.s32 $0x1  }
0xbd: {  	_ =	sfence.sel $0xFFFF  }
0xbe: {  	[dreg:$0x0] =	wrdreg $0xFFFFFFFF;
	(pc) =	sbr.abs _section_cstart, $3  }
0xbf: {  	[dreg:$0x1] =	wrdreg $0xFFFFFFFF  }
0xc0: {  	_ =	task.clear_ibuf [dreg:s6], $0x2FFFF;
	_ =	strace $0x9FFFFFFF  }
0xc1: {  	(tm) =	ssettm $0x7FFFFFFF  }
tec
execute0_lowered:
.L_overlay_start_1:
0x0: {  	(tag) =	ssettag $0x1  }
0x1: {  	s8 =	rddreg [dreg:$0x0]  }
0x2: {  	s0 =	rddreg [dreg:$0x1];
	_ =	strace $0x8000004A;
	s1 =	stileid.u32  }
0x3: {  	s3 =	srdreg.scid;
	s4 =	simm.s32 $0x1;
	s7 =	simm.s32 $0x1  }
0x4: {  	s9 =	simm.s32 $0x1;
	s10 =	simm.s32 $0x3;
	s13 =	simm.s32 $0x0  }
0x5: {  	s12 =	simm.s32 $0x0;
	s5 =	sand.u32 $0x1, s3;
	s6 =	sshll.u32 s1, $0x1  }
0x6: {  	s2 =	sadd.s32 $0x35FA00, s8;
	s3 =	sadd.s32 $0x350A00, s8;
	s5 =	sor.u32 s6, s5  }
.Ltmp0:
0x7: {  	[sflag:s4] =	ssyncpa.u1 $0x0;
	p0 =	slt.u32 s5, $0x9;
	(pc) =	sbr.rel .LBB2_1-.Ltmp0, $4  }
0x8: {  	s6 =	simm.s32 $0x2;
	s7 =	simm.s32 @!p0 $0x0;
	p0 =	sne.s32 s5, $0x8  }
0x9: {  	[sflag:s6] =	ssyncpa.u1 $0x0;
	s5 =	smul.u32 $0xFA0, s5;
	s9 =	simm.s32 @!p0 $0x0  }
0xa: {  	s8 =	sadd.s32 $0x386C00, s8;
	[sflag:s10] =	ssyncpa.u1 $0x0;
	s7 =	sadd.s32 s9, s7  }
0xb: {  	vm0 =	vmmov $0xffff;
	s10 =	simm.s32 $0x0;
	s11 =	smov.u32 s5;
	s9 =	sadd.s32 $0x1, s7  }
.LBB2_4:
0xc: {  	vm1 =	veq.s32 v0, $0x80000000;
	v63 =	vand.u32 $0xFFF, v0;
	v2 =	vand.u32 $0x1FF, v2  }
0xd: {  	v0 =	vsel vm1, $0xFFFFFFFF, v63;
	v2 =	vsel vm1, $0xFFFFFFFF, v2  }
0xe: {  	v3 =	vshll.u32 v0, $0x9;
	v4 =	vshll.u32 v2, $0x3  }
0xf: {  	v0 =	vshll.u32 v0, $0x7;
	v3 =	vand.u32 $0xFFFFF000, v3;
	v4 =	vand.u32 $0xFFFFFC00, v4  }
0x10: {  	v0 =	vand.u32 $0x380, v0;
	v3 =	vadd.s32 v3, v4  }
0x11: {  	v2 =	vand.u32 $0x7F, v2;
	v0 =	vor.u32 v0, v3  }
0x12: {  	v0 =	vor.u32 v2, v0;
	_ =	sdelay $0x1  }
0x13: {  	(ifvalue) =	ssetifvalue $0x7FFFFFFF;
	s15 =	sadd.s32 $0x10, s15  }
0x14: {  	[tilespmem:s15], [sflag:$0x1] =	stream.indirect_vreg.gather [hbm4b:s2+s10], $0x1, v1, vm0, $0x4038;
	[tilespmem:$0x3E80] =	vst v63  }
0x15: {  	(ifvalue) =	ssetifvalue $0x7FFFFFFF;
	s15 =	sadd.s32 $0x10, s15  }
0x16: {  	[tilespmem:s15], [sflag:$0x1] =	stream.indirect_vreg.gather [hbm4b:s2+s10], $0x1, v0, vm0, $0x4038;
	[tilespmem:$0x3E80] =	vst v63  }
0x17: {  	_ =	swait.ge [sflag:s4], $0xFA0  }
0x18: {  	s30 =	sshrl.u32 s13, $0x3;
	[sflag:s4] =	ssyncset.done $0x0  }
0x19: {  	s31 =	sand.u32 $0x7, s13;
	s15 =	sadd.s32 s8, s30;
	[sflag:s4] =	ssyncadd.s32 $0xFFFFF060  }
0x1a: {  	[hbm4b:s15+s31] =	stream.linear.scatter [tilespmem:s14], [sflag:$0x3], $0xFA0, $0x38;
	[tilespmem:$0x3E80] =	vst v63  }
.LBB2_5:
0x1b: {  	s15 =	sadd.s32 $0x1F400, s11  }
0x1c: {  	p1 =	sgt.s32 s15, $0x270FF  }
0x1d: {  	s15 =	smov.u32 @p1 s5;
	p1 =	sne.s32 s12, s9  }
.Ltmp1:
0x1e: {  	p0 =	slt.u32 s12, $0x2;
	(pc) =	sbr.rel @!p1 .LBB2_6-.Ltmp1, $4  }
0x1f: {  	s14 =	simm.s32 @!p0 $0x3  }
0x20: {  	_ =	swait.ge @!p0 [sflag:s14], $0xFA0  }
0x21: {  	s16 =	sadd.s32 $0x1, s12;
	s13 =	smov.u32 s11;
	[sflag:s14] =	ssyncset.done @!p0 $0x0  }
0x22: {  	s12 =	smov.u32 s16;
	s11 =	smov.u32 s15;
	[sflag:s14] =	ssyncadd.s32 @!p0 $0xFFFFF060  }
.LBB2_1:
0x23: {  	p0 =	sge.u32 s12, s7  }
0x24: {  	s14 =	sxor.u32 @!p0 $0x1, s12  }
0x25: {  	s14 =	smul.u32 @!p0 $0x3E80, s14  }
0x26: {  	s31 =	sadd.s32 $0xFFFFFFFF, s12;
	s15 =	sshrl.u32 @!p0 s11, $0x3  }
0x27: {  	s16 =	sand.u32 @!p0 $0x7, s11;
	s15 =	sadd.s32 @!p0 s3, s15;
	s14 =	sshra.s32 @!p0 s14, $0x2  }
0x28: {  	[tilespmem:s14], [sflag:$0x2] =	stream.linear.gather @!p0 [hbm4b:s15+s16], $0xFA0, $0x38;
	[tilespmem:$0x3E80] =	vst v63  }
0x29: {  	p0 =	sge.u32 s31, s7  }
.Ltmp2:
0x2a: {  	_ = 	snop;
	(pc) =	sbr.rel @p0 .LBB2_5-.Ltmp2, $1  }
0x2b: {  	_ =	sdelay $0x3  }
0x2c: {  	s14 =	sand.u32 $0x1, s12  }
0x2d: {  	_ =	swait.ge [sflag:s6], $0xFA0;
	p0 =	seq.s32 s14, $0x1;
	s14 =	simm.s32 $0xFA0  }
0x2e: {  	[sflag:s6] =	ssyncset.done $0x0;
	s14 =	simm.s32 @!p0 $0x0  }
0x2f: {  	[sflag:s6] =	ssyncadd.s32 $0xFFFFF060;
	(ifvalue) =	ssetifvalue $0x7FFFFFFF;
	v0 =	vld.msk [tilespmem:s14+$0x0 ss:$0x1], $0xffff;
	_ =	sdelay $0x3  }
0x30: {  	s15 =	sadd.s32 $0x10, s14  }
0x31: {  	v2 =	vld.msk [tilespmem:s15+$0x0 ss:$0x1], $0xffff;
	v1 =	vshrl.u32 v0, $0xC  }
0x32: {  	vm1 =	veq.s32 v0, $0x80000000;
	v0 =	vand.u32 $0xFFF, v0;
	v1 =	vand.u32 $0x1FF, v1  }
0x33: {  	v0 =	vsel vm1, $0xFFFFFFFF, v0;
	v1 =	vsel vm1, $0xFFFFFFFF, v1  }
0x34: {  	v3 =	vshll.u32 v0, $0x9;
	v4 =	vshll.u32 v1, $0x3  }
0x35: {  	v0 =	vshll.u32 v0, $0x7;
	v3 =	vand.u32 $0xFFFFF000, v3;
	v4 =	vand.u32 $0xFFFFFC00, v4  }
0x36: {  	vm1 =	veq.s32 v2, $0x80000000;
	v0 =	vand.u32 $0x380, v0;
	v3 =	vadd.s32 v3, v4  }
0x37: {  	v1 =	vand.u32 $0x7F, v1;
	v0 =	vor.u32 v0, v3;
	v3 =	vshrl.u32 v2, $0xC  }
0x38: {  	s15 =	sadd.s32 $0x10, s15;
	v2 =	vand.u32 $0xFFF, v2;
	v1 =	vor.u32 v1, v0;
	v3 =	vand.u32 $0x1FF, v3  }
0x39: {  	v0 =	vld.msk [tilespmem:s15+$0x0 ss:$0x1], $0xffff;
	v2 =	vsel vm1, $0xFFFFFFFF, v2;
	v3 =	vsel vm1, $0xFFFFFFFF, v3  }
0x3a: {  	v63 =	vshll.u32 v2, $0x9;
	v5 =	vshll.u32 v3, $0x3  }
0x3b: {  	v2 =	vshll.u32 v2, $0x7;
	v4 =	vand.u32 $0xFFFFF000, v63;
	v5 =	vand.u32 $0xFFFFFC00, v5  }
0x3c: {  	s14 =	sadd.s32 $0x1F40, s14;
	(ifvalue) =	ssetifvalue $0x7FFFFFFF;
	v2 =	vand.u32 $0x380, v2;
	v4 =	vadd.s32 v4, v5  }
0x3d: {  	[tilespmem:s14], [sflag:$0x1] =	stream.indirect_vreg.gather [hbm4b:s2+s10], $0x1, v1, vm0, $0x4038;
	v1 =	vand.u32 $0x7F, v3;
	v3 =	vor.u32 v2, v4;
	[tilespmem:$0x3E80] =	vst v63  }
0x3e: {  	s16 =	simm.s32 $0x20;
	s17 =	sadd.s32 $0x10, s15;
	s15 =	smov.u32 s14;
	v2 =	vshrl.u32 v0, $0xC;
	v1 =	vor.u32 v1, v3  }
.LBB2_3:
0x3f: {  	s16 =	sadd.s32 $0x10, s16;
	vm1 =	veq.s32 v0, $0x80000000;
	v3 =	vand.u32 $0xFFF, v0;
	v0 =	vld.msk [tilespmem:s17+$0x0 ss:$0x1], $0xffff;
	v2 =	vand.u32 $0x1FF, v2  }
0x40: {  	p0 =	slt.u32 s16, $0xF90;
	v3 =	vsel vm1, $0xFFFFFFFF, v3;
	v2 =	vsel vm1, $0xFFFFFFFF, v2  }
.Ltmp3:
0x41: {  	v4 =	vshll.u32 v3, $0x9;
	v5 =	vshll.u32 v2, $0x3;
	(pc) =	sbr.rel @p0 .LBB2_3-.Ltmp3, $4  }
0x42: {  	s15 =	sadd.s32 $0x10, s15;
	v3 =	vshll.u32 v3, $0x7;
	v4 =	vand.u32 $0xFFFFF000, v4;
	v5 =	vand.u32 $0xFFFFFC00, v5;
	(ifvalue) =	ssetifvalue $0x7FFFFFFF  }
0x43: {  	v3 =	vand.u32 $0x380, v3;
	v4 =	vadd.s32 v4, v5;
	[tilespmem:s15], [sflag:$0x1] =	stream.indirect_vreg.gather [hbm4b:s2+s10], $0x1, v1, vm0, $0x4038;
	[tilespmem:$0x3E80] =	vst v63  }
0x44: {  	v1 =	vand.u32 $0x7F, v2;
	v3 =	vor.u32 v3, v4  }
0x45: {  	s17 =	sadd.s32 $0x10, s17;
	v2 =	vshrl.u32 v0, $0xC;
	v1 =	vor.u32 v1, v3  }
.Ltmp4:
0x46: {  	_ = 	snop;
	(pc) =	sbr.rel .LBB2_4-.Ltmp4, $1  }
0x47: {  	_ =	sdelay $0x3  }
.LBB2_6:
0x48: {  	_ =	sfence.sel $0x180000  }
0x49: {  	s2 =	simm.s32 $0x2;
	[bflag:$0x0] =	sbarrier.arrive $0xFFFF  }
0x4a: {  	s30 =	simm.s32 $0x3;
	[sflag:s2] =	ssyncpa.u1 $0x1  }
0x4b: {  	s31 =	simm.s32 $0x1;
	[sflag:s30] =	ssyncpa.u1 $0x1  }
0x4c: {  	[sflag:s31] =	ssyncpa.u1 $0x1  }
0x4d: {  	p0 =	sne.s32 s1, $0x0;
	_ =	strace $0x9000004A  }
0x4e: {  	s0 =	sadd.s32 @!p0 $0x100000, s0;
	[bflag:$0x2] =	sbarrier.arrive $0xFFFF  }
0x4f: {  	[sflag:s0] =	ssyncadd.tile.s32 @!p0 $0x1;
	_ =	shalt  }
.Lfunc_end2:
_tile_overlayer_lowered:
.L_overlay_start_2:
0x50: {  	(tag) =	ssettag $0x2  }
0x51: {  	s0 =	rddreg [dreg:$0x0];
	s2 =	stileid.u32  }
0x52: {  	s1 =	rddreg [dreg:$0x1];
	p0 =	sne.s32 s2, $0x0  }
0x53: {  	s3 =	rddreg [dreg:$0x2];
	[bflag:$0x3] =	sbarrier.arrive $0xFFFF;
	s2 =	simm.s32 @!p0 $0x1C01  }
0x54: {  	[timem:s3], [sflag:s2] =	dma.local @!p0 [hbm:s0], s1  }
0x55: {  	s0 =	simm.s32 @!p0 $0x1  }
0x56: {  	_ =	swait.ge @!p0 [sflag:s0], s1  }
0x57: {  	s1 =	ssub.s32 @!p0 $0x0, s1;
	[sflag:s0] =	ssyncset.done @!p0 $0x0  }
0x58: {  	[sflag:s0] =	ssyncadd.s32 @!p0 s1  }
0x59: {  	[bflag:$0x3] =	sbarrier.arrive $0xFFFF  }
0x5a: {  	_ =	shalt  }

// kernel: sparse-core-data-format-call.cloned.1.call-start
scs
called_computation_lowered:
.L_overlay_start_0:
0x0: {  	s1 =	sld [smem:$0x3FD9]  }
0x1: {  	s2 =	sld [smem:$0x3FFE];
	_ =	sdelay $0x1  }
0x2: {  	s3 =	srdreg.scid  }
0x3: {  	s0 =	sand.u32 $0x1, s3  }
0x4: {  	s17 =	sshll.u32 s0, $0xA;
	s1 =	sadd.s32 s2, s1  }
0x5: {  	s1 =	sadd.s32 s1, s17  }
0x6: {  	[smem:$0x3FBB] =	sst s1  }
0x7: {  	_ = 	snop  }
0x8: {  	(tm) =	ssettm $0x1  }
0x9: {  	s18 =	sld [smem:$0x3FFB];
	_ =	sdelay $0x3  }
0xa: {  	_ =	strace s18  }
0xb: {  	s1 =	sld [smem:$0x3FFC];
	_ =	sdelay $0x3  }
0xc: {  	_ =	strace s1  }
0xd: {  	s1 =	sld [smem:$0x3FFD];
	_ =	sdelay $0x3  }
0xe: {  	_ =	strace s1  }
0xf: {  	_ =	strace $0x8FFFFFFF  }
0x10: {  	s19 =	sld [smem:$0x3FDB];
	_ =	sdelay $0x1  }
0x11: {  	s20 =	simm.s32 $_scs_section_size  }
0x12: {  	s4 =	simm.s32 $_size__tile_overlayer_lowered;
	s5 =	simm.s32 $_tile_overlayer_lowered  }
0x13: {  	s23 =	simm.s32 $0x1BFF;
	s22 =	sshll.u32 s5, $0x1;
	s1 =	sadd.s32 s20, s19  }
0x14: {  	s6 =	simm.s32 $0x0;
	s21 =	sshll.u32 s4, $0x1;
	s4 =	sadd.s32 s22, s1  }
0x15: {  	[timem:s6], [sflag:s23] =	dma.local [hbm:s4], s21  }
0x16: {  	_ =	swait.ge [sflag:s23], s21  }
0x17: {  	s2 =	ssub.s32 $0x0, s21;
	[sflag:s23] =	ssyncset.done $0x0  }
0x18: {  	[sflag:s23] =	ssyncadd.s32 s2;
	_ =	sdelay $0x1  }
0x19: {  	s24 =	simm.s32 $0x1B8B  }
0x1a: {  	_ =	swait.ge [sflag:s24], $0x1  }
0x1b: {  	[sflag:s24] =	ssyncset.done $0x0  }
0x1c: {  	s26 =	simm.s32 $0x1B8E;
	s25 =	sld [smem:$0x3FFE];
	[sflag:s24] =	ssyncadd.s32 $0xFFFFFFFF  }
0x1d: {  	s27 =	simm.s32 $execute0_lowered;
	[smem:$0x3FD2] =	sst s26  }
0x1e: {  	s4 =	sshll.u32 s27, $0x1;
	_ =	strace $0x80000046;
	[dreg:$0x1] =	wrdreg $0xFFFFFFFF  }
0x1f: {  	s28 =	simm.s32 $_size_execute0_lowered;
	s1 =	sadd.s32 s1, s4;
	[dreg:$0x0] =	wrdreg $0x0  }
0x20: {  	s4 =	sshll.u32 s28, $0x1;
	[dreg:$0x2] =	wrdreg s1  }
0x21: {  	[dreg:$0x3] =	wrdreg s4  }
0x22: {  	[dreg:$0x4] =	wrdreg $0xC0  }
0x23: {  	_ =	task [dreg:s6], $0x5FFFF  }
0x24: {  	[dreg:$0x1] =	wrdreg $0xFFFFFFFF  }
0x25: {  	[dreg:$0x0] =	wrdreg $0x60  }
0x26: {  	[dreg:$0x2] =	wrdreg s25  }
0x27: {  	[dreg:$0x3] =	wrdreg $0x9  }
0x28: {  	_ =	task.clear_ibuf [dreg:s6], $0x4FFFF;
	_ =	strace $0x90000046  }
0x29: {  	s29 =	simm.s32 $0x9;
	_ =	strace $0x80000048  }
0x2a: {  	_ =	swait.ge [sflag:s29], $0x1  }
0x2b: {  	[sflag:s29] =	ssyncadd.s32 $0xFFFFFFFF  }
0x2c: {  	_ =	strace $0x90000048  }
0x2d: {  	_ =	sfence  }
0x2e: {  	s30 =	sld [smem:$0x0];
	_ =	sdelay $0x2  }
0x2f: {  	s31 =	sshll.u32 s3, $0xD;
	s3 =	sshrl.u32 s3, $0x2  }
0x30: {  	s2 =	sand.u32 $0x4000, s31;
	s1 =	sadd.s32 s3, s30  }
0x31: {  	s0 =	sor.u32 s2, s0;
	s1 =	sshll.u32 s1, $0x11  }
0x32: {  	s0 =	sor.u32 s1, s0  }
0x33: {  	s0 =	sadd.s32 $0x8F2B, s0  }
0x34: {  	[sflag:s0] =	ssyncadd.remote.s32 $0x1  }
0x35: {  	_ =	sfence.sel $0xFFFF  }
0x36: {  	[dreg:$0x0] =	wrdreg $0xFFFFFFFF;
	(pc) =	sbr.abs _section_cstart, $3  }
0x37: {  	[dreg:$0x1] =	wrdreg $0xFFFFFFFF  }
0x38: {  	_ =	task.clear_ibuf [dreg:s6], $0x2FFFF;
	_ =	strace $0x9FFFFFFF  }
0x39: {  	(tm) =	ssettm $0x7FFFFFFF  }
tec
execute0_lowered:
.L_overlay_start_1:
0x0: {  	(tag) =	ssettag $0x1  }
0x1: {  	s0 =	srdreg.scid  }
0x2: {  	s0 =	sshll.u32 s0, $0x4  }
0x3: {  	s1 =	stileid.u32;
	s0 =	sand.u32 $0x10, s0  }
0x4: {  	s0 =	sor.u32 s1, s0  }
0x5: {  	s29 =	rddreg [dreg:$0x0];
	s12 =	sshll.u32 s0, $0x7  }
0x6: {  	_ =	strace $0x80000047;
	s2 =	simm.s32 $0x1;
	s0 =	ssub.s32 $0x4E00, s12  }
0x7: {  	s30 =	simm.s32 $0x2;
	s14 =	simm.s32 $0x0;
	s0 =	sshrl.u32 s0, $0xC  }
0x8: {  	s9 =	simm.s32 $0x0;
	s3 =	sadd.s32 $0x27200, s29;
	s0 =	smul.u32 $0xA, s0  }
.Ltmp0:
0x9: {  	[dreg:$0x3] =	wrdreg s3;
	s1 =	sadd.s32 $0x334600, s29;
	(pc) =	sbr.rel .LBB1_1-.Ltmp0, $4  }
0xa: {  	s8 =	simm.s32 $0x0;
	s11 =	simm.s32 $0x0;
	[dreg:$0x4] =	wrdreg s1  }
0xb: {  	s10 =	simm.s32 $0x0;
	[dreg:$0x2] =	wrdreg s12;
	s31 =	sadd.s32 $0xA, s0  }
0xc: {  	[sflag:s2] =	ssyncpa.u1 $0x0;
	s7 =	sadd.s32 $0xB, s0;
	[dreg:$0x5] =	wrdreg s31  }
0xd: {  	s13 =	simm.s32 $0x0;
	[sflag:s30] =	ssyncpa.u1 $0x0;
	[dreg:$0x6] =	wrdreg s7  }
.LBB1_12:
0xe: {  	s8 =	rddreg [dreg:$0x7]  }
0xf: {  	s1 =	sshll.u32 s11, $0x3;
	s25 =	sand.u32 $0x7F, s11;
	s5 =	rddreg [dreg:$0xb]  }
0x10: {  	p1 =	sgt.s32 s11, $0x4E00;
	s26 =	rddreg [dreg:$0xa];
	s0 =	sshrl.u32 s8, $0x3  }
0x11: {  	s4 =	smov.u32 s11;
	s30 =	rddreg [dreg:$0x4];
	s0 =	smul.u32 $0x27400, s0  }
0x12: {  	s31 =	simm.s32 $0x27400;
	s1 =	sand.u32 $0xFFFFFC00, s1;
	s2 =	sshll.u32 s8, $0x7  }
0x13: {  	s9 =	rddreg [dreg:$0x8];
	s24 =	sand.u32 $0x380, s2;
	s0 =	sadd.s32 s1, s0  }
0x14: {  	p0 =	sgt.s32 s8, $0x468;
	s3 =	smov.u32 s8;
	s0 =	sor.u32 s24, s0  }
0x15: {  	s4 =	simm.s32 @!p1 $0x4E00;
	s1 =	sor.u32 s25, s0;
	s0 =	smulhi.u32 $0x342DA7F3, s0  }
0x16: {  	s3 =	simm.s32 @!p0 $0x468;
	s4 =	sadd.s32 s26, s4;
	s2 =	smulhi.u32 $0x342DA7F3, s1  }
0x17: {  	s3 =	sadd.s32 s5, s3;
	s7 =	sadd.s32 $0xFFFFB200, s4;
	s0 =	sshrl.u32 s0, $0xC  }
0x18: {  	s4 =	ssub.s32 $0x4E80, s4;
	s2 =	sshrl.u32 s2, $0xC;
	s27 =	smulhi.u32 $0x342DA8, s0  }
0x19: {  	s6 =	sadd.s32 $0xFFFFFB98, s3;
	p1 =	sgt.s32 s7, $0x7F;
	s2 =	smul.u32 $0x4E80, s2  }
0x1a: {  	s3 =	ssub.s32 $0x4E8, s3;
	p0 =	sgt.s32 s6, $0x7F;
	s5 =	smul.u32 $0x4E8, s27  }
0x1b: {  	s14 =	rddreg [dreg:$0x9];
	s4 =	simm.s32 @p1 $0x0;
	s3 =	simm.s32 @p0 $0x0  }
0x1c: {  	s28 =	smul.u32 s4, s3;
	s1 =	ssub.s32 s1, s2;
	s0 =	ssub.s32 s0, s5  }
0x1d: {  	s29 =	sshrl.u32 s1, $0x3;
	s1 =	sand.u32 $0x7, s1;
	s0 =	smul.u32 $0x9D0, s0  }
0x1e: {  	s7 =	rddreg [dreg:$0x6];
	s3 =	sadd.s32 s30, s29;
	s1 =	sshll.u32 s1, $0x12  }
0x1f: {  	s2 =	sand.u32 $0x3FFFFFFF, s28;
	s1 =	sor.u32 $0x400, s1;
	s0 =	sadd.s32 s0, s3  }
0x20: {  	[hbm4b:s0+s1] =	stream.strided.scatter [tilespmem:s18], [sflag:$0x2], s2, s31, s1, $0x20;
	[tilespmem:$0x10100] =	vst v63  }
.LBB1_13:
0x21: {  	p0 =	slt.u32 s13, $0x2  }
0x22: {  	s1 =	smov.u32 s14;
	s2 =	smov.u32 s9;
	p1 =	sgt.s32 @!p0 s14, $0x468  }
0x23: {  	s0 =	sshra.s32 @!p0 s14, $0x1F;
	p2 =	sgt.s32 @!p0 s9, $0x4E00;
	s3 =	sshra.s32 @!p0 s9, $0x1F  }
0x24: {  	p1 =	por !p1, p0;
	s0 =	sand.u32 @!p0 s0, s14;
	p2 =	por !p2, p0  }
0x25: {  	s3 =	sand.u32 @!p0 s3, s9;
	s1 =	simm.s32 @p1 $0x468;
	s2 =	simm.s32 @p2 $0x4E00  }
0x26: {  	s0 =	ssub.s32 @!p0 s1, s0;
	s1 =	ssub.s32 @!p0 s2, s3  }
0x27: {  	s2 =	sadd.s32 @!p0 $0xFFFFFB98, s0;
	s3 =	sadd.s32 @!p0 $0xFFFFB200, s1  }
0x28: {  	s0 =	ssub.s32 @!p0 $0x4E8, s0;
	p1 =	sgt.s32 @!p0 s2, $0x7F;
	p2 =	sgt.s32 @!p0 s3, $0x7F  }
0x29: {  	s1 =	ssub.s32 @!p0 $0x4E80, s1;
	p1 =	por !p1, p0;
	p2 =	por !p2, p0  }
0x2a: {  	s0 =	simm.s32 @!p1 $0x0;
	s1 =	simm.s32 @!p2 $0x0  }
0x2b: {  	s0 =	smul.u32 @!p0 s1, s0  }
0x2c: {  	s4 =	smov.u32 s12;
	s2 =	simm.s32 @!p0 $0x2;
	s1 =	sadd.s32 $0x80, s10  }
0x2d: {  	s3 =	sadd.s32 $0x1000, s12;
	p1 =	sgt.s32 s1, $0x4E1;
	s0 =	sand.u32 @!p0 $0x3FFFFFFF, s0  }
0x2e: {  	s4 =	smov.u32 @p1 s3;
	_ =	swait.ge @!p0 [sflag:s2], s0  }
0x2f: {  	s1 =	simm.s32 @p1 $0x0;
	p1 =	sgt.s32 s4, $0x4E1F;
	s3 =	rddreg [dreg:$0x2]  }
0x30: {  	s4 =	smov.u32 @p1 s3;
	p1 =	sne.s32 s13, s7  }
.Ltmp1:
0x31: {  	_ = 	snop;
	(pc) =	sbr.rel @!p1 .LBB1_14-.Ltmp1, $4  }
0x32: {  	s14 =	smov.u32 s8  }
0x33: {  	s9 =	smov.u32 s11;
	s8 =	smov.u32 s10;
	s11 =	smov.u32 s12  }
0x34: {  	s0 =	ssub.s32 @!p0 $0x0, s0;
	s10 =	smov.u32 s1;
	[sflag:s2] =	ssyncset.done @!p0 $0x0  }
0x35: {  	s13 =	sadd.s32 $0x1, s13;
	[sflag:s2] =	ssyncadd.s32 @!p0 s0;
	s12 =	smov.u32 s4  }
.LBB1_1:
0x36: {  	s0 =	rddreg [dreg:$0x5]  }
0x37: {  	s3 =	smov.u32 s12;
	p0 =	sge.u32 s13, s0  }
0x38: {  	s5 =	smov.u32 s10;
	s0 =	sshrl.u32 @!p0 s12, $0x3;
	s1 =	sshll.u32 @!p0 s10, $0x3  }
0x39: {  	s2 =	sshll.u32 @!p0 s12, $0x7;
	p1 =	sgt.s32 @!p0 s12, $0x4DA0;
	s0 =	smul.u32 @!p0 $0x2800, s0  }
0x3a: {  	s4 =	sshra.s32 @!p0 s12, $0x1F;
	s1 =	sand.u32 @!p0 $0xFFFFFC00, s1;
	p1 =	por !p1, p0  }
0x3b: {  	s3 =	simm.s32 @p1 $0x4DA0;
	s0 =	sadd.s32 @!p0 s0, s1;
	s1 =	sand.u32 @!p0 $0x380, s2  }
0x3c: {  	p1 =	sgt.s32 @!p0 s10, $0x480;
	s2 =	sand.u32 @!p0 $0x7F, s10;
	s0 =	sor.u32 @!p0 s1, s0  }
0x3d: {  	s6 =	sshra.s32 @!p0 s10, $0x1F;
	p1 =	por !p1, p0;
	s1 =	sor.u32 @!p0 s2, s0  }
0x3e: {  	s6 =	sand.u32 @!p0 s6, s10;
	s5 =	simm.s32 @p1 $0x480;
	s2 =	smulhi.u32 @!p0 $0xCCCCCCCD, s1  }
0x3f: {  	s4 =	sand.u32 @!p0 s4, s12;
	s0 =	smulhi.u32 @!p0 $0xCCCCCCCD, s0;
	s5 =	ssub.s32 @!p0 s5, s6  }
0x40: {  	s3 =	ssub.s32 @!p0 s3, s4;
	s6 =	sadd.s32 @!p0 $0xFFFFFB80, s5;
	s2 =	sshrl.u32 @!p0 s2, $0xA  }
0x41: {  	s0 =	sshrl.u32 @!p0 s0, $0xA;
	p2 =	sgt.s32 @!p0 s6, $0x7F;
	s2 =	smul.u32 @!p0 $0x500, s2  }
0x42: {  	s5 =	ssub.s32 @!p0 $0x500, s5;
	s4 =	smulhi.u32 @!p0 $0x1A36E3, s0;
	p2 =	por !p2, p0  }
0x43: {  	s1 =	ssub.s32 @!p0 s1, s2;
	s2 =	sadd.s32 @!p0 $0xFFFFB260, s3;
	s3 =	ssub.s32 @!p0 $0x4E20, s3  }
0x44: {  	p1 =	sgt.s32 @!p0 s2, $0x7F;
	s2 =	sshrl.u32 @!p0 s4, $0x3;
	s4 =	sxor.u32 @!p0 $0xFFFFFFFF, s13  }
0x45: {  	s2 =	smul.u32 @!p0 $0x4E20, s2;
	p1 =	por !p1, p0;
	s4 =	sshll.u32 @!p0 s4, $0xE  }
0x46: {  	s5 =	simm.s32 @!p2 $0x0;
	s3 =	simm.s32 @!p1 $0x0;
	s4 =	sand.u32 @!p0 $0x4000, s4  }
0x47: {  	s0 =	ssub.s32 @!p0 s0, s2;
	s2 =	smul.u32 @!p0 s3, s5;
	s3 =	sshrl.u32 @!p0 s1, $0x3  }
0x48: {  	s1 =	sand.u32 @!p0 $0x7, s1;
	s5 =	rddreg [dreg:$0x3];
	s0 =	smul.u32 @!p0 $0xA0, s0  }
0x49: {  	s3 =	sadd.s32 @!p0 s5, s3;
	s1 =	sshll.u32 @!p0 s1, $0x12;
	s2 =	sand.u32 @!p0 $0x3FFFFFFF, s2  }
0x4a: {  	s1 =	sor.u32 @!p0 $0x400, s1;
	s0 =	sadd.s32 @!p0 s0, s3;
	s3 =	simm.s32 @!p0 $0x2800  }
0x4b: {  	[tilespmem:s4], [sflag:$0x1] =	stream.strided.gather @!p0 [hbm4b:s0+s1], s2, s3, s1, $0x38;
	[tilespmem:$0x10100] =	vst v63  }
0x4c: {  	p0 =	seq.s32 s13, $0x0  }
0x4d: {  	p1 =	sge.u32 @!p0 s13, s7  }
0x4e: {  	p0 =	por p0, p1  }
.Ltmp2:
0x4f: {  	_ = 	snop;
	(pc) =	sbr.rel @p0 .LBB1_13-.Ltmp2, $1  }
0x50: {  	_ =	sdelay $0x3  }
0x51: {  	s0 =	ssub.s32 $0x0, s11;
	s1 =	sshra.s32 s11, $0x1F;
	p0 =	sgt.s32 s11, $0x4DA0  }
0x52: {  	s2 =	smov.u32 s11;
	s25 =	ssub.s32 $0x0, s8;
	s26 =	sshra.s32 s8, $0x1F  }
0x53: {  	s3 =	smov.u32 s8;
	s2 =	simm.s32 @!p0 $0x4DA0;
	p0 =	sgt.s32 s8, $0x480  }
0x54: {  	s4 =	sand.u32 s0, s1;
	s1 =	sand.u32 s25, s26;
	s3 =	simm.s32 @!p0 $0x480  }
0x55: {  	s2 =	sadd.s32 s4, s2;
	[dreg:$0xb] =	wrdreg s1;
	s1 =	sadd.s32 s1, s3  }
0x56: {  	s27 =	sadd.s32 $0xFFFFB260, s2;
	s2 =	ssub.s32 $0x4E20, s2;
	s28 =	sadd.s32 $0xFFFFFB80, s1  }
0x57: {  	p0 =	sgt.s32 s27, $0x7F;
	s0 =	ssub.s32 $0x500, s1;
	p1 =	sgt.s32 s28, $0x7F  }
0x58: {  	s2 =	simm.s32 @p0 $0x0;
	s0 =	simm.s32 @p1 $0x0  }
0x59: {  	s29 =	smul.u32 s2, s0;
	s2 =	sadd.s32 $0x80, s11  }
0x5a: {  	p0 =	slt.s32 s2, $0x4E20  }
0x5b: {  	s2 =	simm.s32 @!p0 $0x4E20  }
0x5c: {  	[dreg:$0x9] =	wrdreg s14;
	s19 =	ssub.s32 s2, s11  }
0x5d: {  	[dreg:$0x8] =	wrdreg s9;
	p0 =	slt.s32 s19, $0x1  }
.Ltmp3:
0x5e: {  	[dreg:$0x7] =	wrdreg s8;
	s30 =	simm.s32 $0x1;
	(pc) =	sbr.rel @p0 .LBB1_12-.Ltmp3, $4  }
0x5f: {  	[dreg:$0xa] =	wrdreg s4;
	s0 =	sand.u32 $0x1, s13;
	s1 =	sand.u32 $0x3FFFFFFF, s29  }
0x60: {  	s31 =	smul.u32 $0x4080, s0;
	_ =	swait.ge [sflag:s30], s1  }
0x61: {  	s1 =	ssub.s32 $0x0, s1;
	[sflag:s30] =	ssyncset.done $0x0  }
0x62: {  	s18 =	sor.u32 $0x8000, s31;
	[sflag:s30] =	ssyncadd.s32 s1  }
0x63: {  	s2 =	rddreg [dreg:$0x7]  }
0x64: {  	s1 =	sadd.s32 $0x80, s2  }
0x65: {  	p0 =	slt.s32 s1, $0x4E2  }
.Ltmp4:
0x66: {  	s1 =	simm.s32 @!p0 $0x4E2;
	(pc) =	sbr.rel .LBB1_4-.Ltmp4, $4  }
0x67: {  	s22 =	sshll.u32 s0, $0xE;
	s1 =	ssub.s32 s1, s2  }
0x68: {  	s24 =	simm.s32 $0x0;
	s25 =	simm.s32 $0x400;
	s1 =	sadd.s32 $0xF, s1  }
0x69: {  	s20 =	sand.u32 $0xFFFFFFF0, s1;
	s21 =	sand.u32 $0xFFFFFF00, s1;
	s31 =	sshll.u32 s1, $0x3  }
0x6a: {  	p0 =	slt.s32 s1, $0x100;
	s23 =	sand.u32 $0xFFFFF800, s31;
	p1 =	sge.s32 s21, s20  }
.LBB1_11:
0x6b: {  	s24 =	sadd.s32 $0x1, s24  }
0x6c: {  	p2 =	sne.s32 s24, s19  }
.Ltmp5:
0x6d: {  	_ = 	snop;
	(pc) =	sbr.rel @!p2 .LBB1_12-.Ltmp5, $2  }
0x6e: {  	_ =	sdelay $0x2  }
0x6f: {  	s25 =	sadd.s32 $0x80, s25  }
.LBB1_4:
.Ltmp6:
0x70: {  	(pc) =	sbr.rel @p0 .LBB1_8-.Ltmp6, $2  }
0x71: {  	_ =	sdelay $0x2  }
0x72: {  	s26 =	sshll.u32 s24, $0x7;
	s27 =	sand.u32 $0x7F, s24  }
0x73: {  	s0 =	sshll.u32 s24, $0x3  }
0x74: {  	s5 =	sand.u32 $0x380, s26;
	s2 =	sshrl.u32 s0, $0x7  }
0x75: {  	s3 =	sadd.s32 $0x800, s0;
	s6 =	sadd.s32 $0x1000, s0;
	s17 =	sadd.s32 s5, s22  }
0x76: {  	s16 =	sadd.s32 $0x1800, s0;
	s7 =	sadd.s32 $0x2800, s0;
	s14 =	sadd.s32 $0x3000, s0  }
0x77: {  	s0 =	sadd.s32 $0x3800, s0;
	s1 =	sand.u32 $0x78, s2;
	s3 =	sshrl.u32 s3, $0x7  }
0x78: {  	s15 =	sshrl.u32 s6, $0x7;
	s6 =	sshrl.u32 s16, $0x7;
	s8 =	sshrl.u32 s7, $0x7  }
0x79: {  	s16 =	sshrl.u32 s0, $0x7;
	s4 =	smul.u32 $0x204, s1;
	s3 =	sand.u32 $0x78, s3  }
0x7a: {  	s7 =	sadd.s32 $0x20, s2;
	v0 =	vmov s17;
	s17 =	sand.u32 $0x3C00, s25;
	s3 =	smul.u32 $0x204, s3  }
0x7b: {  	s5 =	sand.u32 $0x78, s15;
	s1 =	sxor.u32 $0x40, s1;
	s15 =	sshrl.u32 s14, $0x7  }
0x7c: {  	s5 =	smul.u32 $0x204, s5;
	s4 =	sshrl.u32 s4, $0x2;
	s3 =	sshrl.u32 s3, $0x2  }
0x7d: {  	s1 =	smul.u32 $0x204, s1;
	s4 =	sadd.s32 s4, s18;
	s3 =	sadd.s32 s3, s18  }
0x7e: {  	s28 =	sadd.s32 s27, s4;
	s4 =	sand.u32 $0x78, s6;
	s6 =	sshrl.u32 s5, $0x2  }
0x7f: {  	s29 =	sadd.s32 s27, s3;
	s3 =	smul.u32 $0x204, s4;
	s4 =	sadd.s32 s6, s18  }
0x80: {  	s14 =	sand.u32 $0x78, s7;
	s30 =	sadd.s32 s27, s4;
	s4 =	sand.u32 $0x78, s8  }
0x81: {  	s7 =	sadd.s32 $0x30, s2;
	s1 =	sshrl.u32 s1, $0x2;
	s4 =	smul.u32 $0x204, s4  }
0x82: {  	s9 =	sadd.s32 s1, s18;
	s5 =	sand.u32 $0x78, s16;
	s3 =	sshrl.u32 s3, $0x2  }
0x83: {  	s31 =	sadd.s32 s27, s9;
	s3 =	sadd.s32 s3, s18;
	s4 =	sshrl.u32 s4, $0x2  }
0x84: {  	s1 =	sadd.s32 s27, s3;
	s3 =	sand.u32 $0x78, s15;
	s4 =	sadd.s32 s4, s18  }
0x85: {  	s6 =	sadd.s32 $0x10, s2;
	s3 =	smul.u32 $0x204, s3;
	s0 =	sadd.s32 s27, s4  }
0x86: {  	s4 =	smul.u32 $0x204, s5;
	s5 =	sand.u32 $0x78, s6;
	s6 =	sand.u32 $0x78, s7  }
0x87: {  	s7 =	sadd.s32 $0x50, s2;
	s3 =	sshrl.u32 s3, $0x2;
	s5 =	smul.u32 $0x204, s5  }
0x88: {  	s6 =	smul.u32 $0x204, s6;
	s7 =	sand.u32 $0x78, s7;
	s3 =	sadd.s32 s3, s18  }
0x89: {  	s9 =	sshrl.u32 s4, $0x2;
	s4 =	smul.u32 $0x204, s14;
	s14 =	sadd.s32 $0x60, s2  }
0x8a: {  	s7 =	smul.u32 $0x204, s7;
	s2 =	sadd.s32 $0x70, s2;
	s8 =	sadd.s32 s27, s3  }
0x8b: {  	s3 =	sadd.s32 s9, s18;
	s15 =	sshrl.u32 s5, $0x2;
	s14 =	sand.u32 $0x78, s14  }
0x8c: {  	s6 =	sshrl.u32 s6, $0x2;
	s2 =	sand.u32 $0x78, s2;
	s5 =	sadd.s32 s27, s3  }
0x8d: {  	v1 =	vld.idx.msk [tilespmem:v0+s17+$0x0 ss:$0x1], $0xffff;
	s16 =	sadd.s32 s15, s18;
	s4 =	sshrl.u32 s4, $0x2;
	s14 =	smul.u32 $0x204, s14  }
0x8e: {  	s2 =	smul.u32 $0x204, s2;
	s7 =	sshrl.u32 s7, $0x2;
	s4 =	sadd.s32 s4, s18  }
0x8f: {  	s15 =	sadd.s32 s6, s18;
	s7 =	sadd.s32 s7, s18;
	s3 =	sadd.s32 s27, s4  }
0x90: {  	s4 =	sadd.s32 s27, s15;
	s14 =	sshrl.u32 s14, $0x2;
	s2 =	sshrl.u32 s2, $0x2  }
0x91: {  	s15 =	sadd.s32 $0xFFFFFC00, s25;
	s14 =	sadd.s32 s14, s18;
	s9 =	sadd.s32 s2, s18  }
0x92: {  	[tilespmem:s28+$0x0 ss:$0x81] =	vst.msk $0xffff, v1;
	v1 =	vld.idx.msk [tilespmem:v0+s17+$0x20 ss:$0x1], $0xffff;
	s2 =	sadd.s32 s27, s7;
	s7 =	sadd.s32 s27, s14;
	s14 =	sand.u32 $0x3C00, s15  }
0x93: {  	v2 =	vld.idx.msk [tilespmem:v0+s14+$0x70 ss:$0x1], $0xffff  }
0x94: {  	v3 =	vld.idx.msk [tilespmem:v0+s14+$0x0 ss:$0x1], $0xffff  }
0x95: {  	v4 =	vld.idx.msk [tilespmem:v0+s14+$0x10 ss:$0x1], $0xffff  }
0x96: {  	v5 =	vld.idx.msk [tilespmem:v0+s14+$0x20 ss:$0x1], $0xffff  }
0x97: {  	v6 =	vld.idx.msk [tilespmem:v0+s14+$0x30 ss:$0x1], $0xffff  }
0x98: {  	v7 =	vld.idx.msk [tilespmem:v0+s14+$0x40 ss:$0x1], $0xffff;
	[tilespmem:s5+$0x0 ss:$0x81] =	vst.msk $0xffff, v2  }
0x99: {  	v8 =	vld.idx.msk [tilespmem:v0+s14+$0x50 ss:$0x1], $0xffff;
	[tilespmem:s28+$0x0 ss:$0x81] =	vst.msk $0xffff, v3  }
0x9a: {  	p2 =	sgt.s32 s21, $0x100;
	v9 =	vld.idx.msk [tilespmem:v0+s14+$0x60 ss:$0x1], $0xffff;
	[tilespmem:s29+$0x0 ss:$0x81] =	vst.msk $0xffff, v4  }
.Ltmp7:
0x9b: {  	v4 =	vld.idx.msk [tilespmem:v0+s17+$0x10 ss:$0x1], $0xffff;
	[tilespmem:s30+$0x0 ss:$0x81] =	vst.msk $0xffff, v5;
	(pc) =	sbr.rel @!p2 .LBB1_7-.Ltmp7, $4  }
0x9c: {  	[tilespmem:s1+$0x0 ss:$0x81] =	vst.msk $0xffff, v6;
	v2 =	vld.idx.msk [tilespmem:v0+s17+$0x30 ss:$0x1], $0xffff  }
0x9d: {  	[tilespmem:s31+$0x0 ss:$0x81] =	vst.msk $0xffff, v7;
	v3 =	vld.idx.msk [tilespmem:v0+s17+$0x40 ss:$0x1], $0xffff  }
0x9e: {  	s6 =	sadd.s32 s27, s16;
	[tilespmem:s0+$0x0 ss:$0x81] =	vst.msk $0xffff, v8;
	v5 =	vld.idx.msk [tilespmem:v0+s17+$0x50 ss:$0x1], $0xffff  }
0x9f: {  	s16 =	sadd.s32 s27, s9;
	s15 =	sadd.s32 $0x800, s25;
	s14 =	simm.s32 $0x100;
	[tilespmem:s8+$0x0 ss:$0x81] =	vst.msk $0xffff, v9;
	v6 =	vld.idx.msk [tilespmem:v0+s17+$0x60 ss:$0x1], $0xffff  }
.LBB1_6:
0xa0: {  	s9 =	sadd.s32 $0xFFFFFC00, s15;
	s14 =	sadd.s32 $0x100, s14;
	[tilespmem:s6+$0x0 ss:$0x81] =	vst.msk $0xffff, v4;
	v4 =	vld.idx.msk [tilespmem:v0+s17+$0x70 ss:$0x1], $0xffff;
	s17 =	sand.u32 $0x3C00, s15  }
0xa1: {  	s9 =	sand.u32 $0x3C00, s9;
	v7 =	vld.idx.msk [tilespmem:v0+s17+$0x0 ss:$0x1], $0xffff;
	p2 =	slt.s32 s14, s21;
	[tilespmem:s3+$0x0 ss:$0x81] =	vst.msk $0xffff, v1  }
0xa2: {  	v1 =	vld.idx.msk [tilespmem:v0+s9+$0x70 ss:$0x1], $0xffff;
	[tilespmem:s4+$0x0 ss:$0x81] =	vst.msk $0xffff, v2  }
0xa3: {  	v2 =	vld.idx.msk [tilespmem:v0+s9+$0x0 ss:$0x1], $0xffff;
	[tilespmem:s31+$0x0 ss:$0x81] =	vst.msk $0xffff, v3  }
0xa4: {  	v3 =	vld.idx.msk [tilespmem:v0+s9+$0x10 ss:$0x1], $0xffff;
	[tilespmem:s2+$0x0 ss:$0x81] =	vst.msk $0xffff, v5  }
0xa5: {  	v5 =	vld.idx.msk [tilespmem:v0+s9+$0x20 ss:$0x1], $0xffff;
	[tilespmem:s7+$0x0 ss:$0x81] =	vst.msk $0xffff, v6  }
0xa6: {  	v6 =	vld.idx.msk [tilespmem:v0+s9+$0x30 ss:$0x1], $0xffff;
	[tilespmem:s16+$0x0 ss:$0x81] =	vst.msk $0xffff, v4  }
0xa7: {  	v8 =	vld.idx.msk [tilespmem:v0+s9+$0x40 ss:$0x1], $0xffff;
	[tilespmem:s28+$0x0 ss:$0x81] =	vst.msk $0xffff, v7  }
0xa8: {  	v7 =	vld.idx.msk [tilespmem:v0+s9+$0x50 ss:$0x1], $0xffff;
	[tilespmem:s5+$0x0 ss:$0x81] =	vst.msk $0xffff, v1  }
0xa9: {  	[tilespmem:s28+$0x0 ss:$0x81] =	vst.msk $0xffff, v2;
	v9 =	vld.idx.msk [tilespmem:v0+s9+$0x60 ss:$0x1], $0xffff  }
0xaa: {  	[tilespmem:s29+$0x0 ss:$0x81] =	vst.msk $0xffff, v3;
	v4 =	vld.idx.msk [tilespmem:v0+s17+$0x10 ss:$0x1], $0xffff  }
.Ltmp8:
0xab: {  	[tilespmem:s30+$0x0 ss:$0x81] =	vst.msk $0xffff, v5;
	v1 =	vld.idx.msk [tilespmem:v0+s17+$0x20 ss:$0x1], $0xffff;
	(pc) =	sbr.rel @p2 .LBB1_6-.Ltmp8, $4  }
0xac: {  	[tilespmem:s1+$0x0 ss:$0x81] =	vst.msk $0xffff, v6;
	v2 =	vld.idx.msk [tilespmem:v0+s17+$0x30 ss:$0x1], $0xffff  }
0xad: {  	[tilespmem:s31+$0x0 ss:$0x81] =	vst.msk $0xffff, v8;
	v3 =	vld.idx.msk [tilespmem:v0+s17+$0x40 ss:$0x1], $0xffff  }
0xae: {  	[tilespmem:s0+$0x0 ss:$0x81] =	vst.msk $0xffff, v7;
	v5 =	vld.idx.msk [tilespmem:v0+s17+$0x50 ss:$0x1], $0xffff  }
0xaf: {  	s15 =	sadd.s32 $0x800, s15;
	[tilespmem:s8+$0x0 ss:$0x81] =	vst.msk $0xffff, v9;
	v6 =	vld.idx.msk [tilespmem:v0+s17+$0x60 ss:$0x1], $0xffff  }
.LBB1_7:
0xb0: {  	_ =	sdelay $0x2  }
0xb1: {  	[tilespmem:s6+$0x0 ss:$0x81] =	vst.msk $0xffff, v4  }
0xb2: {  	v0 =	vld.idx.msk [tilespmem:v0+s17+$0x70 ss:$0x1], $0xffff;
	[tilespmem:s3+$0x0 ss:$0x81] =	vst.msk $0xffff, v1  }
0xb3: {  	[tilespmem:s4+$0x0 ss:$0x81] =	vst.msk $0xffff, v2  }
0xb4: {  	[tilespmem:s31+$0x0 ss:$0x81] =	vst.msk $0xffff, v3  }
0xb5: {  	[tilespmem:s2+$0x0 ss:$0x81] =	vst.msk $0xffff, v5  }
0xb6: {  	[tilespmem:s7+$0x0 ss:$0x81] =	vst.msk $0xffff, v6  }
0xb7: {  	[tilespmem:s16+$0x0 ss:$0x81] =	vst.msk $0xffff, v0  }
.LBB1_8:
.Ltmp9:
0xb8: {  	(pc) =	sbr.rel @p1 .LBB1_11-.Ltmp9, $1  }
0xb9: {  	_ =	sdelay $0x3  }
0xba: {  	s1 =	sand.u32 $0x380, s26;
	s0 =	sshrl.u32 s24, $0x4;
	s2 =	sadd.s32 s27, s18  }
0xbb: {  	s3 =	smov.u32 s23;
	s4 =	smov.u32 s21;
	s1 =	sadd.s32 s1, s22  }
.LBB1_10:
0xbc: {  	s5 =	sand.u32 $0x3C00, s3  }
0xbd: {  	s5 =	sadd.s32 s26, s5  }
0xbe: {  	s5 =	sand.u32 $0x3C00, s5  }
0xbf: {  	s6 =	sand.u32 $0x70, s4;
	s30 =	sadd.s32 s4, s0;
	s5 =	sadd.s32 s5, s1  }
0xc0: {  	s4 =	sadd.s32 $0x10, s4;
	s31 =	sand.u32 $0x78, s30;
	s5 =	sadd.s32 s6, s5  }
0xc1: {  	p2 =	slt.s32 s4, s20;
	v0 =	vld [tilespmem:s5+$0x0];
	s5 =	smul.u32 $0x204, s31  }
.Ltmp10:
0xc2: {  	_ = 	snop;
	(pc) =	sbr.rel @p2 .LBB1_10-.Ltmp10, $4  }
0xc3: {  	_ = 	snop  }
0xc4: {  	s5 =	sshrl.u32 s5, $0x2  }
0xc5: {  	s5 =	sadd.s32 s5, s2  }
0xc6: {  	s3 =	sadd.s32 $0x80, s3;
	[tilespmem:s5+$0x0 ss:$0x81] =	vst.msk $0xffff, v0  }
.Ltmp11:
0xc7: {  	_ = 	snop;
	(pc) =	sbr.rel .LBB1_11-.Ltmp11, $1  }
0xc8: {  	_ =	sdelay $0x3  }
.LBB1_14:
0xc9: {  	_ =	sfence.sel $0x180000  }
0xca: {  	s0 =	simm.s32 $0x1;
	[bflag:$0x0] =	sbarrier.arrive $0xFFFF  }
0xcb: {  	s30 =	simm.s32 $0x2;
	[sflag:s0] =	ssyncpa.u1 $0x1  }
0xcc: {  	[sflag:s30] =	ssyncpa.u1 $0x1  }
0xcd: {  	_ =	strace $0x90000047  }
0xce: {  	s31 =	stileid.u32;
	[bflag:$0x2] =	sbarrier.arrive $0xFFFF  }
0xcf: {  	p0 =	sne.s32 s31, $0x0;
	s0 =	rddreg [dreg:$0x1]  }
0xd0: {  	s0 =	sadd.s32 @!p0 $0x100000, s0  }
0xd1: {  	[sflag:s0] =	ssyncadd.tile.s32 @!p0 $0x1;
	_ =	shalt  }
.Lfunc_end1:
_tile_overlayer_lowered:
.L_overlay_start_2:
0xd2: {  	(tag) =	ssettag $0x2  }
0xd3: {  	s0 =	rddreg [dreg:$0x0];
	s2 =	stileid.u32  }
0xd4: {  	s1 =	rddreg [dreg:$0x1];
	p0 =	sne.s32 s2, $0x0  }
0xd5: {  	s3 =	rddreg [dreg:$0x2];
	[bflag:$0x3] =	sbarrier.arrive $0xFFFF;
	s2 =	simm.s32 @!p0 $0x1C01  }
0xd6: {  	[timem:s3], [sflag:s2] =	dma.local @!p0 [hbm:s0], s1  }
0xd7: {  	s0 =	simm.s32 @!p0 $0x1  }
0xd8: {  	_ =	swait.ge @!p0 [sflag:s0], s1  }
0xd9: {  	s1 =	ssub.s32 @!p0 $0x0, s1;
	[sflag:s0] =	ssyncset.done @!p0 $0x0  }
0xda: {  	[sflag:s0] =	ssyncadd.s32 @!p0 s1  }
0xdb: {  	[bflag:$0x3] =	sbarrier.arrive $0xFFFF  }
0xdc: {  	_ =	shalt  }

</sc_bundles>
